<compile_context>
chip_gen: v7x
topology: tpu7x:2x2x1
jax: 0.10.2.dev20260603
libtpu: 0.0.44.dev20260713+nightly
codegen_flags: <defaults>
</compile_context>

<pallas_src>
import functools

import jax
import jax.numpy as jnp
import numpy as np
from jax import lax
from jax.experimental import pallas as pl
from jax.experimental.pallas import tpu as pltpu
from jax.experimental.pallas import tpu_sc as plsc

_N_NODES = 10000
_N_EDGES = 320000
_D_FEAT = 128
_D_EDGE = 16
_D_OUT = 128
_D_HALF = _D_FEAT // 2

_NC = 2
_NS = 16
_G = 128
_EPT = 20480
_NGROUPS = _EPT // _G
_CHUNK = 8
_NCHUNKS = _NGROUPS // _CHUNK
_DEPTH = 4
_E_PAD = _NS * _EPT
_ROWS = 10112
_STRIPE = _ROWS // _NS

_PERM = np.concatenate(
    [np.arange(16) * 2 + 64 * c + 32 * j + o
     for c in (0, 1) for j in (0, 1) for o in (0, 1)])


def _sc_segment_sums(xb, src2, dst_g, ef):
  mesh = plsc.VectorSubcoreMesh(core_axis_name="c", subcore_axis_name="s")

  @functools.partial(
      pl.kernel,
      out_type=(
          jax.ShapeDtypeStruct((_NC, _ROWS, _D_HALF), jnp.float32),
          jax.ShapeDtypeStruct((_NC, _ROWS, _D_EDGE), jnp.float32),
      ),
      mesh=mesh,
      compiler_params=pltpu.CompilerParams(
          use_tc_tiling_on_sc=False, needs_layout_passes=False),
      scratch_types=[
          pltpu.VMEM_SHARED((_ROWS, _D_HALF), jnp.float32),
          pltpu.VMEM_SHARED((_ROWS, _D_EDGE), jnp.float32),
          pltpu.VMEM((_NGROUPS, _G), jnp.int32),
          pltpu.VMEM((_CHUNK, _G), jnp.int32),
          pltpu.VMEM((_DEPTH, _G, _D_HALF), jnp.bfloat16),
          pltpu.VMEM((2, _G, _D_HALF), jnp.float32),
          pltpu.VMEM((_DEPTH, _G, _D_EDGE), jnp.float32),
          pltpu.VMEM((_G, _D_EDGE), jnp.float32),
          pltpu.SemaphoreType.DMA,
          pltpu.SemaphoreType.DMA,
          pltpu.SemaphoreType.DMA,
          pltpu.SemaphoreType.DMA,
      ],
  )
  def k(xb_hbm, src_hbm, dst_hbm, ef_hbm,
        gp_hbm, ep_hbm,
        g_s, e_s, sidx, didx, bf_v, rows_f, ef_v, ones_v,
        semg, seme, semsg, semse):
    cid = lax.axis_index("c")
    sid = lax.axis_index("s")

    zv = jnp.zeros((16,), jnp.float32)
    e1 = jnp.where(lax.iota(jnp.int32, 16) == 0, 1.0, 0.0)

    def _zinit(r, c2):
      for jj in range(_D_HALF // 16):
        rows_f[0, r, pl.ds(16 * jj, 16)] = zv
      ef_v[0, r, :] = zv
      ones_v[r, :] = e1
      return c2

    lax.fori_loop(0, _G, _zinit, 0)

    r0 = sid * _STRIPE
    for q in range(5):
      n = _G if q < 4 else _STRIPE - 4 * _G
      pltpu.sync_copy(rows_f.at[0, pl.ds(0, n)],
                      g_s.at[pl.ds(r0 + q * _G, n)])
      pltpu.sync_copy(ef_v.at[0, pl.ds(0, n)],
                      e_s.at[pl.ds(r0 + q * _G, n)])
    pltpu.sync_copy(src_hbm.at[cid, sid], sidx)
    plsc.subcore_barrier()

    ebase = sid * _EPT

    def _ef_src(g):
      return ef_hbm.at[pl.ds(jnp.minimum(ebase + g * _G, _N_EDGES - _G), _G)]

    def _fire(g, p):
      pltpu.async_copy(xb_hbm.at[sidx.at[g]], bf_v.at[p], semg)

      @pl.when(cid == 0)
      def _ef_fire():
        pltpu.async_copy(_ef_src(g), ef_v.at[p], seme)

    for p in range(_DEPTH - 1):
      _fire(p, p)

    mask = jnp.int32(-65536)

    def body(g, carry):
      ch = g // _CHUNK
      j = g % _CHUNK
      b = lax.rem(g, _DEPTH)
      bn = lax.rem(g + _DEPTH - 1, _DEPTH)
      b2 = lax.rem(g, 2)

      @pl.when(j == 0)
      def _load_chunk():
        pltpu.sync_copy(dst_hbm.at[sid, ch], didx)

      pltpu.make_async_copy(xb_hbm.at[sidx.at[g]], bf_v.at[b], semg).wait()

      @pl.when(cid == 0)
      def _ef_wait():
        pltpu.make_async_copy(_ef_src(g), ef_v.at[b], seme).wait()

      @pl.when(g >= 2)
      def _drain_g_scatter():
        pltpu.make_async_copy(rows_f.at[b2], g_s.at[didx.at[j]], semsg).wait()

      @pl.when(g >= 1)
      def _drain_e_scatter():
        pltpu.make_async_copy(ones_v, e_s.at[didx.at[j]], semse).wait()

      @pl.when(g + _DEPTH - 1 < _NGROUPS)
      def _prefetch():
        _fire(g + _DEPTH - 1, bn)

      def _cv(r, c2):
        for jj in range(_D_HALF // 32):
          v = bf_v[b, r, pl.ds(32 * jj, 32)]
          ev, od = plsc.unpack(v, format=plsc.PackFormat.INTERLEAVED)
          rows_f[b2, r, pl.ds(32 * jj, 16)] = ev
          rows_f[b2, r, pl.ds(32 * jj + 16, 16)] = od
        return c2

      lax.fori_loop(0, _G, _cv, 0)

      pltpu.async_copy(rows_f.at[b2], g_s.at[didx.at[j]], semsg, add=True)

      @pl.when(cid == 0)
      def _ef_scatter():
        pltpu.async_copy(ef_v.at[b], e_s.at[didx.at[j]], semse, add=True)

      @pl.when(cid == 1)
      def _cnt_scatter():
        pltpu.async_copy(ones_v, e_s.at[didx.at[j]], semse, add=True)

      return carry

    lax.fori_loop(0, _NGROUPS, body, 0)
    pltpu.make_async_copy(rows_f.at[0], g_s.at[pl.ds(0, _G)], semsg).wait()
    pltpu.make_async_copy(rows_f.at[0], g_s.at[pl.ds(0, _G)], semsg).wait()
    pltpu.make_async_copy(ones_v, e_s.at[pl.ds(0, _G)], semse).wait()
    plsc.subcore_barrier()

    pltpu.sync_copy(g_s.at[pl.ds(r0, _STRIPE)],
                    gp_hbm.at[cid, pl.ds(r0, _STRIPE)])
    pltpu.sync_copy(e_s.at[pl.ds(r0, _STRIPE)],
                    ep_hbm.at[cid, pl.ds(r0, _STRIPE)])

  return k(xb, src2, dst_g, ef)


_TC_BLK = 1000


def _tc_body(gp_ref, ep_ref, w_ref, b_ref, o_ref):
  g = jnp.concatenate([gp_ref[0], gp_ref[1]], axis=-1)
  e = ep_ref[0]
  cnt = ep_ref[1][:, 0:1]
  acc = jnp.dot(g, w_ref[:_D_FEAT, :], preferred_element_type=jnp.float32)
  acc = acc + jnp.dot(e, w_ref[_D_FEAT:, :], preferred_element_type=jnp.float32)
  acc = acc + cnt * b_ref[...]
  o_ref[...] = acc / jnp.maximum(cnt, 1.0)


def _tc_combine(gp, ep, Wp, b2d):
  grid = _N_NODES // _TC_BLK
  return pl.pallas_call(
      _tc_body,
      grid=(grid,),
      in_specs=[
          pl.BlockSpec((_NC, _TC_BLK, _D_HALF), lambda i: (0, i, 0)),
          pl.BlockSpec((_NC, _TC_BLK, _D_EDGE), lambda i: (0, i, 0)),
          pl.BlockSpec((_D_FEAT + _D_EDGE, _D_OUT), lambda i: (0, 0)),
          pl.BlockSpec((1, _D_OUT), lambda i: (0, 0)),
      ],
      out_specs=pl.BlockSpec((_TC_BLK, _D_OUT), lambda i: (i, 0)),
      out_shape=jax.ShapeDtypeStruct((_N_NODES, _D_OUT), jnp.float32),
  )(gp, ep, Wp, b2d)


def kernel(x, edge_index, edge_features, W, b):
  ei = edge_index.astype(jnp.int32)
  pad = _E_PAD - _N_EDGES
  src = jnp.concatenate([ei[0], jnp.zeros((pad,), jnp.int32)])
  dst = jnp.concatenate([ei[1], jnp.full((pad,), _N_NODES, jnp.int32)])
  src2 = jnp.stack([2 * src, 2 * src + 1]).reshape(_NC, _NS, _NGROUPS, _G)
  dst_g = dst.reshape(_NS, _NCHUNKS, _CHUNK, _G)
  xb = x.astype(jnp.bfloat16).reshape(_NC * _N_NODES, _D_HALF)
  Wp = jnp.concatenate([W[:_D_FEAT][_PERM], W[_D_FEAT:]], axis=0)

  gp, ep = _sc_segment_sums(xb, src2, dst_g, edge_features)
  return _tc_combine(gp, ep, Wp, b.reshape(1, _D_OUT))

# --- scband reference (transcript-rebuilt; emitter-appended) ---
"""Pipeline reference for scband-tegconv-7249904795738 (READ-ONLY COPY).

The authoritative reference and input builder live on the scoring server;
editing this copy changes nothing except your own understanding.
"""

import jax, jax.numpy as jnp
import numpy as np

N_NODES = 10000
N_EDGES = 320000
D_FEAT = 128
D_EDGE = 16
D_OUT = 128


def setup_inputs(seed: int = 0) -> dict:
    key = jax.random.key(seed)
    k1, k2, k3, k4 = jax.random.split(key, 4)
    x = jax.random.normal(k1, (N_NODES, D_FEAT), dtype=jnp.float32)
    edge_index = jax.random.randint(k2, (2, N_EDGES), 0, N_NODES, dtype=jnp.int64)
    edge_features = jax.random.normal(k3, (N_EDGES, D_EDGE), dtype=jnp.float32)
    # edge_mlp: Linear(input_dim=D_FEAT+D_EDGE, output_dim=D_OUT)
    W = jax.random.normal(k4, (D_FEAT + D_EDGE, D_OUT), dtype=jnp.float32) * 0.05
    b = jnp.zeros((D_OUT,), dtype=jnp.float32)
    return {"x": x, "edge_index": edge_index, "edge_features": edge_features, "W": W, "b": b}


def reference(x, edge_index, edge_features, W, b):
    source_ids = edge_index[0, :]
    dst_ids = edge_index[1, :]
    xs = jnp.take(x, source_ids, axis=0)
    x2 = jnp.concatenate([xs, edge_features], axis=1)
    h = x2 @ W + b
    sums = jax.ops.segment_sum(h, dst_ids, num_segments=N_NODES)
    counts = jax.ops.segment_sum(jnp.ones((h.shape[0],), dtype=h.dtype), dst_ids, num_segments=N_NODES)
    counts = jnp.clip(counts, 1.0, None)
    out = sums / counts[:, None]
    return out

if __name__ == "__main__":
    import jax
    _d = setup_inputs()
    print(jax.jit(kernel)(*tuple(_d.values())))

</pallas_src>

<mosaic_0001>
#map = affine_map<(d0, d1) -> (0, 0)>
#map1 = affine_map<(d0, d1) -> (0, 0, 0, 0)>
#map2 = affine_map<(d0, d1) -> (0, 0, 0)>
module attributes {stable_mosaic.version = 14 : i64} {
  func.func @k(%arg0: i32, %arg1: i32, %arg2: memref<20000x64xbf16, #tpu.memory_space<hbm>>, %arg3: memref<2x16x160x128xi32, #tpu.memory_space<hbm>>, %arg4: memref<16x20x8x128xi32, #tpu.memory_space<hbm>>, %arg5: memref<320000x16xf32, #tpu.memory_space<hbm>>, %arg6: memref<2x10112x64xf32, #tpu.memory_space<hbm>>, %arg7: memref<2x10112x16xf32, #tpu.memory_space<hbm>>, %arg8: memref<10112x64xf32, #tpu.memory_space<vmem_shared>>, %arg9: memref<10112x16xf32, #tpu.memory_space<vmem_shared>>, %arg10: memref<160x128xi32, #tpu.memory_space<vmem>>, %arg11: memref<8x128xi32, #tpu.memory_space<vmem>>, %arg12: memref<4x128x64xbf16, #tpu.memory_space<vmem>>, %arg13: memref<2x128x64xf32, #tpu.memory_space<vmem>>, %arg14: memref<4x128x16xf32, #tpu.memory_space<vmem>>, %arg15: memref<128x16xf32, #tpu.memory_space<vmem>>, %arg16: memref<!tpu.dma_semaphore, #tpu.memory_space<semaphore_mem>>, %arg17: memref<!tpu.dma_semaphore, #tpu.memory_space<semaphore_mem>>, %arg18: memref<!tpu.dma_semaphore, #tpu.memory_space<semaphore_mem>>, %arg19: memref<!tpu.dma_semaphore, #tpu.memory_space<semaphore_mem>>) attributes {dimension_semantics = [#tpu.dimension_semantics<core_parallel>, #tpu.dimension_semantics<subcore_parallel>], iteration_bounds = array<i64: 2, 16>, scalar_prefetch = 0 : i64, scratch_operands = 12 : i64, tpu.core_type = #tpu.core_type<sc_vector_subcore>, window_params = [{transform_indices = #map}, {transform_indices = #map1}, {transform_indices = #map1}, {transform_indices = #map}, {transform_indices = #map2}, {transform_indices = #map2}]} {
    %broadcast_in_dim3A = arith.constant 0.000000e+00 : f32
    %broadcast_in_dim3A_0 = vector.broadcast %broadcast_in_dim3A : f32 to vector<16xf32>
    %iota3A = tpu.iota {dimensions = array<i32: 0>} : vector<16xi32>
    %eq3A = arith.constant 0 : i32
    %eq3A_1 = vector.broadcast %eq3A : i32 to vector<16xi32>
    %eq3A_2 = arith.cmpi eq, %iota3A, %eq3A_1 : vector<16xi32>
    %jit3A = arith.constant 1.000000e+00 : f32
    %jit3A_3 = arith.constant 0.000000e+00 : f32
    %broadcast_in_dim3A_4 = vector.broadcast %jit3A : f32 to vector<16xf32>
    %broadcast_in_dim3A_5 = vector.broadcast %jit3A_3 : f32 to vector<16xf32>
    %select_n3A = arith.select %eq3A_2, %broadcast_in_dim3A_4, %broadcast_in_dim3A_5 : vector<16xi1>, vector<16xf32>
    %scan3A = arith.constant 0 : i32
    %scan3A_6 = arith.constant 0 : i32
    %scan3A_7 = arith.constant 128 : i32
    %scan3A_8 = arith.addi %scan3A_6, %scan3A_7 : i32
    %scan3A_9 = arith.constant 1 : i32
    scf.for %scan3A_132 = %scan3A_6 to %scan3A_8 step %scan3A_9  : i32 {
      %swap3A = arith.constant 0 : i32
      %swap3A_133 = arith.index_cast %swap3A : i32 to index
      %swap3A_134 = arith.index_cast %scan3A_132 : i32 to index
      %swap3A_135 = arith.constant 0 : index
      %swap3A_136 = tpu.vector_load %arg13[%swap3A_133, %swap3A_134, %swap3A_135] {strides = array<i32>} : memref<2x128x64xf32, #tpu.memory_space<vmem>>, vector<16xf32>,
      tpu.vector_store %arg13[%swap3A_133, %swap3A_134, %swap3A_135], %broadcast_in_dim3A_0 {strides = array<i32>} : memref<2x128x64xf32, #tpu.memory_space<vmem>>, vector<16xf32>,
      %swap3A_137 = arith.constant 0 : i32
      %swap3A_138 = arith.index_cast %swap3A_137 : i32 to index
      %swap3A_139 = arith.index_cast %scan3A_132 : i32 to index
      %swap3A_140 = arith.constant 16 : index
      %swap3A_141 = tpu.vector_load %arg13[%swap3A_138, %swap3A_139, %swap3A_140] {strides = array<i32>} : memref<2x128x64xf32, #tpu.memory_space<vmem>>, vector<16xf32>,
      tpu.vector_store %arg13[%swap3A_138, %swap3A_139, %swap3A_140], %broadcast_in_dim3A_0 {strides = array<i32>} : memref<2x128x64xf32, #tpu.memory_space<vmem>>, vector<16xf32>,
      %swap3A_142 = arith.constant 0 : i32
      %swap3A_143 = arith.index_cast %swap3A_142 : i32 to index
      %swap3A_144 = arith.index_cast %scan3A_132 : i32 to index
      %swap3A_145 = arith.constant 32 : index
      %swap3A_146 = tpu.vector_load %arg13[%swap3A_143, %swap3A_144, %swap3A_145] {strides = array<i32>} : memref<2x128x64xf32, #tpu.memory_space<vmem>>, vector<16xf32>,
      tpu.vector_store %arg13[%swap3A_143, %swap3A_144, %swap3A_145], %broadcast_in_dim3A_0 {strides = array<i32>} : memref<2x128x64xf32, #tpu.memory_space<vmem>>, vector<16xf32>,
      %swap3A_147 = arith.constant 0 : i32
      %swap3A_148 = arith.index_cast %swap3A_147 : i32 to index
      %swap3A_149 = arith.index_cast %scan3A_132 : i32 to index
      %swap3A_150 = arith.constant 48 : index
      %swap3A_151 = tpu.vector_load %arg13[%swap3A_148, %swap3A_149, %swap3A_150] {strides = array<i32>} : memref<2x128x64xf32, #tpu.memory_space<vmem>>, vector<16xf32>,
      tpu.vector_store %arg13[%swap3A_148, %swap3A_149, %swap3A_150], %broadcast_in_dim3A_0 {strides = array<i32>} : memref<2x128x64xf32, #tpu.memory_space<vmem>>, vector<16xf32>,
      %swap3A_152 = arith.constant 0 : i32
      %swap3A_153 = arith.index_cast %swap3A_152 : i32 to index
      %swap3A_154 = arith.index_cast %scan3A_132 : i32 to index
      %swap3A_155 = arith.constant 0 : index
      %swap3A_156 = tpu.vector_load %arg14[%swap3A_153, %swap3A_154, %swap3A_155] {strides = array<i32>} : memref<4x128x16xf32, #tpu.memory_space<vmem>>, vector<16xf32>,
      tpu.vector_store %arg14[%swap3A_153, %swap3A_154, %swap3A_155], %broadcast_in_dim3A_0 {strides = array<i32>} : memref<4x128x16xf32, #tpu.memory_space<vmem>>, vector<16xf32>,
      %swap3A_157 = arith.index_cast %scan3A_132 : i32 to index
      %swap3A_158 = arith.constant 0 : index
      %swap3A_159 = tpu.vector_load %arg15[%swap3A_157, %swap3A_158] {strides = array<i32>} : memref<128x16xf32, #tpu.memory_space<vmem>>, vector<16xf32>,
      tpu.vector_store %arg15[%swap3A_157, %swap3A_158], %select_n3A {strides = array<i32>} : memref<128x16xf32, #tpu.memory_space<vmem>>, vector<16xf32>,
    }
    %scan3A_10 = arith.constant 128 : i32
    %mul3A = arith.constant 632 : i32
    %mul3A_11 = arith.muli %arg1, %mul3A : i32
    %add3A = arith.constant 0 : i32
    %add3A_12 = arith.addi %mul3A_11, %add3A : i32
    %run_scoped3A = arith.constant 0 : i32
    "tpu.region"() ({
      %run_scoped3A_132 = tpu.sem_alloc : memref<!tpu.dma_semaphore, #tpu.memory_space<semaphore_mem>>
      %dma_start3A_133 = arith.constant 0 : i32
      %dma_start3A_134 = arith.constant 0 : i32
      %dma_start3A_135 = tpu.memref_slice %arg13[%run_scoped3A, %dma_start3A_133, %dma_start3A_134] : memref<2x128x64xf32, #tpu.memory_space<vmem>> -> memref<1x128x64xf32, #tpu.memory_space<vmem>>
      %dma_start3A_136 = tpu.memref_squeeze %dma_start3A_135 : memref<1x128x64xf32, #tpu.memory_space<vmem>> -> memref<128x64xf32, #tpu.memory_space<vmem>>
      %dma_start3A_137 = arith.constant 0 : i32
      %dma_start3A_138 = tpu.memref_slice %arg8[%add3A_12, %dma_start3A_137] : memref<10112x64xf32, #tpu.memory_space<vmem_shared>> -> memref<128x64xf32, #tpu.memory_space<vmem_shared>>
      %dma_start3A_139 = arith.constant 0 : i32
      %dma_start3A_140 = tpu.memref_slice %arg8[%add3A_12, %dma_start3A_139] : memref<10112x64xf32, #tpu.memory_space<vmem_shared>> -> memref<128x64xf32, #tpu.memory_space<vmem_shared>>
      %dma_start3A_141 = arith.constant 0 : i32
      %dma_start3A_142 = arith.constant 0 : i32
      %dma_start3A_143 = tpu.memref_slice %arg13[%run_scoped3A, %dma_start3A_141, %dma_start3A_142] : memref<2x128x64xf32, #tpu.memory_space<vmem>> -> memref<1x128x64xf32, #tpu.memory_space<vmem>>
      %dma_start3A_144 = tpu.memref_squeeze %dma_start3A_143 : memref<1x128x64xf32, #tpu.memory_space<vmem>> -> memref<128x64xf32, #tpu.memory_space<vmem>>
      tpu.enqueue_dma source(%dma_start3A_144 : memref<128x64xf32, #tpu.memory_space<vmem>>) target(%dma_start3A_140 : memref<128x64xf32, #tpu.memory_space<vmem_shared>>) target_semaphore(%run_scoped3A_132 : memref<!tpu.dma_semaphore, #tpu.memory_space<semaphore_mem>>)
      %dma_wait3A_145 = arith.constant 0 : i32
      %dma_wait3A_146 = arith.constant 0 : i32
      %dma_wait3A_147 = tpu.memref_slice %arg13[%run_scoped3A, %dma_wait3A_145, %dma_wait3A_146] : memref<2x128x64xf32, #tpu.memory_space<vmem>> -> memref<1x128x64xf32, #tpu.memory_space<vmem>>
      %dma_wait3A_148 = tpu.memref_squeeze %dma_wait3A_147 : memref<1x128x64xf32, #tpu.memory_space<vmem>> -> memref<128x64xf32, #tpu.memory_space<vmem>>
      %dma_wait3A_149 = arith.constant 0 : i32
      %dma_wait3A_150 = tpu.memref_slice %arg8[%add3A_12, %dma_wait3A_149] : memref<10112x64xf32, #tpu.memory_space<vmem_shared>> -> memref<128x64xf32, #tpu.memory_space<vmem_shared>>
      %dma_wait3A_151 = arith.constant 0 : i32
      %dma_wait3A_152 = tpu.memref_slice %arg8[%add3A_12, %dma_wait3A_151] : memref<10112x64xf32, #tpu.memory_space<vmem_shared>> -> memref<128x64xf32, #tpu.memory_space<vmem_shared>>
      %dma_wait3A_153 = arith.constant 0 : i32
      %dma_wait3A_154 = arith.constant 0 : i32
      %dma_wait3A_155 = tpu.memref_slice %arg13[%run_scoped3A, %dma_wait3A_153, %dma_wait3A_154] : memref<2x128x64xf32, #tpu.memory_space<vmem>> -> memref<1x128x64xf32, #tpu.memory_space<vmem>>
      %dma_wait3A_156 = tpu.memref_squeeze %dma_wait3A_155 : memref<1x128x64xf32, #tpu.memory_space<vmem>> -> memref<128x64xf32, #tpu.memory_space<vmem>>
      tpu.wait_dma2 semaphore(%run_scoped3A_132 : memref<!tpu.dma_semaphore, #tpu.memory_space<semaphore_mem>>) src(%dma_wait3A_156 : memref<128x64xf32, #tpu.memory_space<vmem>>) dst(%dma_wait3A_152 : memref<128x64xf32, #tpu.memory_space<vmem_shared>>)
      tpu.yield
    }) : () -> ()
    %add3A_13 = arith.constant 0 : i32
    %add3A_14 = arith.addi %mul3A_11, %add3A_13 : i32
    %run_scoped3A_15 = arith.constant 0 : i32
    "tpu.region"() ({
      %run_scoped3A_132 = tpu.sem_alloc : memref<!tpu.dma_semaphore, #tpu.memory_space<semaphore_mem>>
      %dma_start3A_133 = arith.constant 0 : i32
      %dma_start3A_134 = arith.constant 0 : i32
      %dma_start3A_135 = tpu.memref_slice %arg14[%run_scoped3A_15, %dma_start3A_133, %dma_start3A_134] : memref<4x128x16xf32, #tpu.memory_space<vmem>> -> memref<1x128x16xf32, #tpu.memory_space<vmem>>
      %dma_start3A_136 = tpu.memref_squeeze %dma_start3A_135 : memref<1x128x16xf32, #tpu.memory_space<vmem>> -> memref<128x16xf32, #tpu.memory_space<vmem>>
      %dma_start3A_137 = arith.constant 0 : i32
      %dma_start3A_138 = tpu.memref_slice %arg9[%add3A_14, %dma_start3A_137] : memref<10112x16xf32, #tpu.memory_space<vmem_shared>> -> memref<128x16xf32, #tpu.memory_space<vmem_shared>>
      %dma_start3A_139 = arith.constant 0 : i32
      %dma_start3A_140 = tpu.memref_slice %arg9[%add3A_14, %dma_start3A_139] : memref<10112x16xf32, #tpu.memory_space<vmem_shared>> -> memref<128x16xf32, #tpu.memory_space<vmem_shared>>
      %dma_start3A_141 = arith.constant 0 : i32
      %dma_start3A_142 = arith.constant 0 : i32
      %dma_start3A_143 = tpu.memref_slice %arg14[%run_scoped3A_15, %dma_start3A_141, %dma_start3A_142] : memref<4x128x16xf32, #tpu.memory_space<vmem>> -> memref<1x128x16xf32, #tpu.memory_space<vmem>>
      %dma_start3A_144 = tpu.memref_squeeze %dma_start3A_143 : memref<1x128x16xf32, #tpu.memory_space<vmem>> -> memref<128x16xf32, #tpu.memory_space<vmem>>
      tpu.enqueue_dma source(%dma_start3A_144 : memref<128x16xf32, #tpu.memory_space<vmem>>) target(%dma_start3A_140 : memref<128x16xf32, #tpu.memory_space<vmem_shared>>) target_semaphore(%run_scoped3A_132 : memref<!tpu.dma_semaphore, #tpu.memory_space<semaphore_mem>>)
      %dma_wait3A_145 = arith.constant 0 : i32
      %dma_wait3A_146 = arith.constant 0 : i32
      %dma_wait3A_147 = tpu.memref_slice %arg14[%run_scoped3A_15, %dma_wait3A_145, %dma_wait3A_146] : memref<4x128x16xf32, #tpu.memory_space<vmem>> -> memref<1x128x16xf32, #tpu.memory_space<vmem>>
      %dma_wait3A_148 = tpu.memref_squeeze %dma_wait3A_147 : memref<1x128x16xf32, #tpu.memory_space<vmem>> -> memref<128x16xf32, #tpu.memory_space<vmem>>
      %dma_wait3A_149 = arith.constant 0 : i32
      %dma_wait3A_150 = tpu.memref_slice %arg9[%add3A_14, %dma_wait3A_149] : memref<10112x16xf32, #tpu.memory_space<vmem_shared>> -> memref<128x16xf32, #tpu.memory_space<vmem_shared>>
      %dma_wait3A_151 = arith.constant 0 : i32
      %dma_wait3A_152 = tpu.memref_slice %arg9[%add3A_14, %dma_wait3A_151] : memref<10112x16xf32, #tpu.memory_space<vmem_shared>> -> memref<128x16xf32, #tpu.memory_space<vmem_shared>>
      %dma_wait3A_153 = arith.constant 0 : i32
      %dma_wait3A_154 = arith.constant 0 : i32
      %dma_wait3A_155 = tpu.memref_slice %arg14[%run_scoped3A_15, %dma_wait3A_153, %dma_wait3A_154] : memref<4x128x16xf32, #tpu.memory_space<vmem>> -> memref<1x128x16xf32, #tpu.memory_space<vmem>>
      %dma_wait3A_156 = tpu.memref_squeeze %dma_wait3A_155 : memref<1x128x16xf32, #tpu.memory_space<vmem>> -> memref<128x16xf32, #tpu.memory_space<vmem>>
      tpu.wait_dma2 semaphore(%run_scoped3A_132 : memref<!tpu.dma_semaphore, #tpu.memory_space<semaphore_mem>>) src(%dma_wait3A_156 : memref<128x16xf32, #tpu.memory_space<vmem>>) dst(%dma_wait3A_152 : memref<128x16xf32, #tpu.memory_space<vmem_shared>>)
      tpu.yield
    }) : () -> ()
    %add3A_16 = arith.constant 128 : i32
    %add3A_17 = arith.addi %mul3A_11, %add3A_16 : i32
    %run_scoped3A_18 = arith.constant 0 : i32
    "tpu.region"() ({
      %run_scoped3A_132 = tpu.sem_alloc : memref<!tpu.dma_semaphore, #tpu.memory_space<semaphore_mem>>
      %dma_start3A_133 = arith.constant 0 : i32
      %dma_start3A_134 = arith.constant 0 : i32
      %dma_start3A_135 = tpu.memref_slice %arg13[%run_scoped3A_18, %dma_start3A_133, %dma_start3A_134] : memref<2x128x64xf32, #tpu.memory_space<vmem>> -> memref<1x128x64xf32, #tpu.memory_space<vmem>>
      %dma_start3A_136 = tpu.memref_squeeze %dma_start3A_135 : memref<1x128x64xf32, #tpu.memory_space<vmem>> -> memref<128x64xf32, #tpu.memory_space<vmem>>
      %dma_start3A_137 = arith.constant 0 : i32
      %dma_start3A_138 = tpu.memref_slice %arg8[%add3A_17, %dma_start3A_137] : memref<10112x64xf32, #tpu.memory_space<vmem_shared>> -> memref<128x64xf32, #tpu.memory_space<vmem_shared>>
      %dma_start3A_139 = arith.constant 0 : i32
      %dma_start3A_140 = tpu.memref_slice %arg8[%add3A_17, %dma_start3A_139] : memref<10112x64xf32, #tpu.memory_space<vmem_shared>> -> memref<128x64xf32, #tpu.memory_space<vmem_shared>>
      %dma_start3A_141 = arith.constant 0 : i32
      %dma_start3A_142 = arith.constant 0 : i32
      %dma_start3A_143 = tpu.memref_slice %arg13[%run_scoped3A_18, %dma_start3A_141, %dma_start3A_142] : memref<2x128x64xf32, #tpu.memory_space<vmem>> -> memref<1x128x64xf32, #tpu.memory_space<vmem>>
      %dma_start3A_144 = tpu.memref_squeeze %dma_start3A_143 : memref<1x128x64xf32, #tpu.memory_space<vmem>> -> memref<128x64xf32, #tpu.memory_space<vmem>>
      tpu.enqueue_dma source(%dma_start3A_144 : memref<128x64xf32, #tpu.memory_space<vmem>>) target(%dma_start3A_140 : memref<128x64xf32, #tpu.memory_space<vmem_shared>>) target_semaphore(%run_scoped3A_132 : memref<!tpu.dma_semaphore, #tpu.memory_space<semaphore_mem>>)
      %dma_wait3A_145 = arith.constant 0 : i32
      %dma_wait3A_146 = arith.constant 0 : i32
      %dma_wait3A_147 = tpu.memref_slice %arg13[%run_scoped3A_18, %dma_wait3A_145, %dma_wait3A_146] : memref<2x128x64xf32, #tpu.memory_space<vmem>> -> memref<1x128x64xf32, #tpu.memory_space<vmem>>
      %dma_wait3A_148 = tpu.memref_squeeze %dma_wait3A_147 : memref<1x128x64xf32, #tpu.memory_space<vmem>> -> memref<128x64xf32, #tpu.memory_space<vmem>>
      %dma_wait3A_149 = arith.constant 0 : i32
      %dma_wait3A_150 = tpu.memref_slice %arg8[%add3A_17, %dma_wait3A_149] : memref<10112x64xf32, #tpu.memory_space<vmem_shared>> -> memref<128x64xf32, #tpu.memory_space<vmem_shared>>
      %dma_wait3A_151 = arith.constant 0 : i32
      %dma_wait3A_152 = tpu.memref_slice %arg8[%add3A_17, %dma_wait3A_151] : memref<10112x64xf32, #tpu.memory_space<vmem_shared>> -> memref<128x64xf32, #tpu.memory_space<vmem_shared>>
      %dma_wait3A_153 = arith.constant 0 : i32
      %dma_wait3A_154 = arith.constant 0 : i32
      %dma_wait3A_155 = tpu.memref_slice %arg13[%run_scoped3A_18, %dma_wait3A_153, %dma_wait3A_154] : memref<2x128x64xf32, #tpu.memory_space<vmem>> -> memref<1x128x64xf32, #tpu.memory_space<vmem>>
      %dma_wait3A_156 = tpu.memref_squeeze %dma_wait3A_155 : memref<1x128x64xf32, #tpu.memory_space<vmem>> -> memref<128x64xf32, #tpu.memory_space<vmem>>
      tpu.wait_dma2 semaphore(%run_scoped3A_132 : memref<!tpu.dma_semaphore, #tpu.memory_space<semaphore_mem>>) src(%dma_wait3A_156 : memref<128x64xf32, #tpu.memory_space<vmem>>) dst(%dma_wait3A_152 : memref<128x64xf32, #tpu.memory_space<vmem_shared>>)
      tpu.yield
    }) : () -> ()
    %add3A_19 = arith.constant 128 : i32
    %add3A_20 = arith.addi %mul3A_11, %add3A_19 : i32
    %run_scoped3A_21 = arith.constant 0 : i32
    "tpu.region"() ({
      %run_scoped3A_132 = tpu.sem_alloc : memref<!tpu.dma_semaphore, #tpu.memory_space<semaphore_mem>>
      %dma_start3A_133 = arith.constant 0 : i32
      %dma_start3A_134 = arith.constant 0 : i32
      %dma_start3A_135 = tpu.memref_slice %arg14[%run_scoped3A_21, %dma_start3A_133, %dma_start3A_134] : memref<4x128x16xf32, #tpu.memory_space<vmem>> -> memref<1x128x16xf32, #tpu.memory_space<vmem>>
      %dma_start3A_136 = tpu.memref_squeeze %dma_start3A_135 : memref<1x128x16xf32, #tpu.memory_space<vmem>> -> memref<128x16xf32, #tpu.memory_space<vmem>>
      %dma_start3A_137 = arith.constant 0 : i32
      %dma_start3A_138 = tpu.memref_slice %arg9[%add3A_20, %dma_start3A_137] : memref<10112x16xf32, #tpu.memory_space<vmem_shared>> -> memref<128x16xf32, #tpu.memory_space<vmem_shared>>
      %dma_start3A_139 = arith.constant 0 : i32
      %dma_start3A_140 = tpu.memref_slice %arg9[%add3A_20, %dma_start3A_139] : memref<10112x16xf32, #tpu.memory_space<vmem_shared>> -> memref<128x16xf32, #tpu.memory_space<vmem_shared>>
      %dma_start3A_141 = arith.constant 0 : i32
      %dma_start3A_142 = arith.constant 0 : i32
      %dma_start3A_143 = tpu.memref_slice %arg14[%run_scoped3A_21, %dma_start3A_141, %dma_start3A_142] : memref<4x128x16xf32, #tpu.memory_space<vmem>> -> memref<1x128x16xf32, #tpu.memory_space<vmem>>
      %dma_start3A_144 = tpu.memref_squeeze %dma_start3A_143 : memref<1x128x16xf32, #tpu.memory_space<vmem>> -> memref<128x16xf32, #tpu.memory_space<vmem>>
      tpu.enqueue_dma source(%dma_start3A_144 : memref<128x16xf32, #tpu.memory_space<vmem>>) target(%dma_start3A_140 : memref<128x16xf32, #tpu.memory_space<vmem_shared>>) target_semaphore(%run_scoped3A_132 : memref<!tpu.dma_semaphore, #tpu.memory_space<semaphore_mem>>)
      %dma_wait3A_145 = arith.constant 0 : i32
      %dma_wait3A_146 = arith.constant 0 : i32
      %dma_wait3A_147 = tpu.memref_slice %arg14[%run_scoped3A_21, %dma_wait3A_145, %dma_wait3A_146] : memref<4x128x16xf32, #tpu.memory_space<vmem>> -> memref<1x128x16xf32, #tpu.memory_space<vmem>>
      %dma_wait3A_148 = tpu.memref_squeeze %dma_wait3A_147 : memref<1x128x16xf32, #tpu.memory_space<vmem>> -> memref<128x16xf32, #tpu.memory_space<vmem>>
      %dma_wait3A_149 = arith.constant 0 : i32
      %dma_wait3A_150 = tpu.memref_slice %arg9[%add3A_20, %dma_wait3A_149] : memref<10112x16xf32, #tpu.memory_space<vmem_shared>> -> memref<128x16xf32, #tpu.memory_space<vmem_shared>>
      %dma_wait3A_151 = arith.constant 0 : i32
      %dma_wait3A_152 = tpu.memref_slice %arg9[%add3A_20, %dma_wait3A_151] : memref<10112x16xf32, #tpu.memory_space<vmem_shared>> -> memref<128x16xf32, #tpu.memory_space<vmem_shared>>
      %dma_wait3A_153 = arith.constant 0 : i32
      %dma_wait3A_154 = arith.constant 0 : i32
      %dma_wait3A_155 = tpu.memref_slice %arg14[%run_scoped3A_21, %dma_wait3A_153, %dma_wait3A_154] : memref<4x128x16xf32, #tpu.memory_space<vmem>> -> memref<1x128x16xf32, #tpu.memory_space<vmem>>
      %dma_wait3A_156 = tpu.memref_squeeze %dma_wait3A_155 : memref<1x128x16xf32, #tpu.memory_space<vmem>> -> memref<128x16xf32, #tpu.memory_space<vmem>>
      tpu.wait_dma2 semaphore(%run_scoped3A_132 : memref<!tpu.dma_semaphore, #tpu.memory_space<semaphore_mem>>) src(%dma_wait3A_156 : memref<128x16xf32, #tpu.memory_space<vmem>>) dst(%dma_wait3A_152 : memref<128x16xf32, #tpu.memory_space<vmem_shared>>)
      tpu.yield
    }) : () -> ()
    %add3A_22 = arith.constant 256 : i32
    %add3A_23 = arith.addi %mul3A_11, %add3A_22 : i32
    %run_scoped3A_24 = arith.constant 0 : i32
    "tpu.region"() ({
      %run_scoped3A_132 = tpu.sem_alloc : memref<!tpu.dma_semaphore, #tpu.memory_space<semaphore_mem>>
      %dma_start3A_133 = arith.constant 0 : i32
      %dma_start3A_134 = arith.constant 0 : i32
      %dma_start3A_135 = tpu.memref_slice %arg13[%run_scoped3A_24, %dma_start3A_133, %dma_start3A_134] : memref<2x128x64xf32, #tpu.memory_space<vmem>> -> memref<1x128x64xf32, #tpu.memory_space<vmem>>
      %dma_start3A_136 = tpu.memref_squeeze %dma_start3A_135 : memref<1x128x64xf32, #tpu.memory_space<vmem>> -> memref<128x64xf32, #tpu.memory_space<vmem>>
      %dma_start3A_137 = arith.constant 0 : i32
      %dma_start3A_138 = tpu.memref_slice %arg8[%add3A_23, %dma_start3A_137] : memref<10112x64xf32, #tpu.memory_space<vmem_shared>> -> memref<128x64xf32, #tpu.memory_space<vmem_shared>>
      %dma_start3A_139 = arith.constant 0 : i32
      %dma_start3A_140 = tpu.memref_slice %arg8[%add3A_23, %dma_start3A_139] : memref<10112x64xf32, #tpu.memory_space<vmem_shared>> -> memref<128x64xf32, #tpu.memory_space<vmem_shared>>
      %dma_start3A_141 = arith.constant 0 : i32
      %dma_start3A_142 = arith.constant 0 : i32
      %dma_start3A_143 = tpu.memref_slice %arg13[%run_scoped3A_24, %dma_start3A_141, %dma_start3A_142] : memref<2x128x64xf32, #tpu.memory_space<vmem>> -> memref<1x128x64xf32, #tpu.memory_space<vmem>>
      %dma_start3A_144 = tpu.memref_squeeze %dma_start3A_143 : memref<1x128x64xf32, #tpu.memory_space<vmem>> -> memref<128x64xf32, #tpu.memory_space<vmem>>
      tpu.enqueue_dma source(%dma_start3A_144 : memref<128x64xf32, #tpu.memory_space<vmem>>) target(%dma_start3A_140 : memref<128x64xf32, #tpu.memory_space<vmem_shared>>) target_semaphore(%run_scoped3A_132 : memref<!tpu.dma_semaphore, #tpu.memory_space<semaphore_mem>>)
      %dma_wait3A_145 = arith.constant 0 : i32
      %dma_wait3A_146 = arith.constant 0 : i32
      %dma_wait3A_147 = tpu.memref_slice %arg13[%run_scoped3A_24, %dma_wait3A_145, %dma_wait3A_146] : memref<2x128x64xf32, #tpu.memory_space<vmem>> -> memref<1x128x64xf32, #tpu.memory_space<vmem>>
      %dma_wait3A_148 = tpu.memref_squeeze %dma_wait3A_147 : memref<1x128x64xf32, #tpu.memory_space<vmem>> -> memref<128x64xf32, #tpu.memory_space<vmem>>
      %dma_wait3A_149 = arith.constant 0 : i32
      %dma_wait3A_150 = tpu.memref_slice %arg8[%add3A_23, %dma_wait3A_149] : memref<10112x64xf32, #tpu.memory_space<vmem_shared>> -> memref<128x64xf32, #tpu.memory_space<vmem_shared>>
      %dma_wait3A_151 = arith.constant 0 : i32
      %dma_wait3A_152 = tpu.memref_slice %arg8[%add3A_23, %dma_wait3A_151] : memref<10112x64xf32, #tpu.memory_space<vmem_shared>> -> memref<128x64xf32, #tpu.memory_space<vmem_shared>>
      %dma_wait3A_153 = arith.constant 0 : i32
      %dma_wait3A_154 = arith.constant 0 : i32
      %dma_wait3A_155 = tpu.memref_slice %arg13[%run_scoped3A_24, %dma_wait3A_153, %dma_wait3A_154] : memref<2x128x64xf32, #tpu.memory_space<vmem>> -> memref<1x128x64xf32, #tpu.memory_space<vmem>>
      %dma_wait3A_156 = tpu.memref_squeeze %dma_wait3A_155 : memref<1x128x64xf32, #tpu.memory_space<vmem>> -> memref<128x64xf32, #tpu.memory_space<vmem>>
      tpu.wait_dma2 semaphore(%run_scoped3A_132 : memref<!tpu.dma_semaphore, #tpu.memory_space<semaphore_mem>>) src(%dma_wait3A_156 : memref<128x64xf32, #tpu.memory_space<vmem>>) dst(%dma_wait3A_152 : memref<128x64xf32, #tpu.memory_space<vmem_shared>>)
      tpu.yield
    }) : () -> ()
    %add3A_25 = arith.constant 256 : i32
    %add3A_26 = arith.addi %mul3A_11, %add3A_25 : i32
    %run_scoped3A_27 = arith.constant 0 : i32
    "tpu.region"() ({
      %run_scoped3A_132 = tpu.sem_alloc : memref<!tpu.dma_semaphore, #tpu.memory_space<semaphore_mem>>
      %dma_start3A_133 = arith.constant 0 : i32
      %dma_start3A_134 = arith.constant 0 : i32
      %dma_start3A_135 = tpu.memref_slice %arg14[%run_scoped3A_27, %dma_start3A_133, %dma_start3A_134] : memref<4x128x16xf32, #tpu.memory_space<vmem>> -> memref<1x128x16xf32, #tpu.memory_space<vmem>>
      %dma_start3A_136 = tpu.memref_squeeze %dma_start3A_135 : memref<1x128x16xf32, #tpu.memory_space<vmem>> -> memref<128x16xf32, #tpu.memory_space<vmem>>
      %dma_start3A_137 = arith.constant 0 : i32
      %dma_start3A_138 = tpu.memref_slice %arg9[%add3A_26, %dma_start3A_137] : memref<10112x16xf32, #tpu.memory_space<vmem_shared>> -> memref<128x16xf32, #tpu.memory_space<vmem_shared>>
      %dma_start3A_139 = arith.constant 0 : i32
      %dma_start3A_140 = tpu.memref_slice %arg9[%add3A_26, %dma_start3A_139] : memref<10112x16xf32, #tpu.memory_space<vmem_shared>> -> memref<128x16xf32, #tpu.memory_space<vmem_shared>>
      %dma_start3A_141 = arith.constant 0 : i32
      %dma_start3A_142 = arith.constant 0 : i32
      %dma_start3A_143 = tpu.memref_slice %arg14[%run_scoped3A_27, %dma_start3A_141, %dma_start3A_142] : memref<4x128x16xf32, #tpu.memory_space<vmem>> -> memref<1x128x16xf32, #tpu.memory_space<vmem>>
      %dma_start3A_144 = tpu.memref_squeeze %dma_start3A_143 : memref<1x128x16xf32, #tpu.memory_space<vmem>> -> memref<128x16xf32, #tpu.memory_space<vmem>>
      tpu.enqueue_dma source(%dma_start3A_144 : memref<128x16xf32, #tpu.memory_space<vmem>>) target(%dma_start3A_140 : memref<128x16xf32, #tpu.memory_space<vmem_shared>>) target_semaphore(%run_scoped3A_132 : memref<!tpu.dma_semaphore, #tpu.memory_space<semaphore_mem>>)
      %dma_wait3A_145 = arith.constant 0 : i32
      %dma_wait3A_146 = arith.constant 0 : i32
      %dma_wait3A_147 = tpu.memref_slice %arg14[%run_scoped3A_27, %dma_wait3A_145, %dma_wait3A_146] : memref<4x128x16xf32, #tpu.memory_space<vmem>> -> memref<1x128x16xf32, #tpu.memory_space<vmem>>
      %dma_wait3A_148 = tpu.memref_squeeze %dma_wait3A_147 : memref<1x128x16xf32, #tpu.memory_space<vmem>> -> memref<128x16xf32, #tpu.memory_space<vmem>>
      %dma_wait3A_149 = arith.constant 0 : i32
      %dma_wait3A_150 = tpu.memref_slice %arg9[%add3A_26, %dma_wait3A_149] : memref<10112x16xf32, #tpu.memory_space<vmem_shared>> -> memref<128x16xf32, #tpu.memory_space<vmem_shared>>
      %dma_wait3A_151 = arith.constant 0 : i32
      %dma_wait3A_152 = tpu.memref_slice %arg9[%add3A_26, %dma_wait3A_151] : memref<10112x16xf32, #tpu.memory_space<vmem_shared>> -> memref<128x16xf32, #tpu.memory_space<vmem_shared>>
      %dma_wait3A_153 = arith.constant 0 : i32
      %dma_wait3A_154 = arith.constant 0 : i32
      %dma_wait3A_155 = tpu.memref_slice %arg14[%run_scoped3A_27, %dma_wait3A_153, %dma_wait3A_154] : memref<4x128x16xf32, #tpu.memory_space<vmem>> -> memref<1x128x16xf32, #tpu.memory_space<vmem>>
      %dma_wait3A_156 = tpu.memref_squeeze %dma_wait3A_155 : memref<1x128x16xf32, #tpu.memory_space<vmem>> -> memref<128x16xf32, #tpu.memory_space<vmem>>
      tpu.wait_dma2 semaphore(%run_scoped3A_132 : memref<!tpu.dma_semaphore, #tpu.memory_space<semaphore_mem>>) src(%dma_wait3A_156 : memref<128x16xf32, #tpu.memory_space<vmem>>) dst(%dma_wait3A_152 : memref<128x16xf32, #tpu.memory_space<vmem_shared>>)
      tpu.yield
    }) : () -> ()
    %add3A_28 = arith.constant 384 : i32
    %add3A_29 = arith.addi %mul3A_11, %add3A_28 : i32
    %run_scoped3A_30 = arith.constant 0 : i32
    "tpu.region"() ({
      %run_scoped3A_132 = tpu.sem_alloc : memref<!tpu.dma_semaphore, #tpu.memory_space<semaphore_mem>>
      %dma_start3A_133 = arith.constant 0 : i32
      %dma_start3A_134 = arith.constant 0 : i32
      %dma_start3A_135 = tpu.memref_slice %arg13[%run_scoped3A_30, %dma_start3A_133, %dma_start3A_134] : memref<2x128x64xf32, #tpu.memory_space<vmem>> -> memref<1x128x64xf32, #tpu.memory_space<vmem>>
      %dma_start3A_136 = tpu.memref_squeeze %dma_start3A_135 : memref<1x128x64xf32, #tpu.memory_space<vmem>> -> memref<128x64xf32, #tpu.memory_space<vmem>>
      %dma_start3A_137 = arith.constant 0 : i32
      %dma_start3A_138 = tpu.memref_slice %arg8[%add3A_29, %dma_start3A_137] : memref<10112x64xf32, #tpu.memory_space<vmem_shared>> -> memref<128x64xf32, #tpu.memory_space<vmem_shared>>
      %dma_start3A_139 = arith.constant 0 : i32
      %dma_start3A_140 = tpu.memref_slice %arg8[%add3A_29, %dma_start3A_139] : memref<10112x64xf32, #tpu.memory_space<vmem_shared>> -> memref<128x64xf32, #tpu.memory_space<vmem_shared>>
      %dma_start3A_141 = arith.constant 0 : i32
      %dma_start3A_142 = arith.constant 0 : i32
      %dma_start3A_143 = tpu.memref_slice %arg13[%run_scoped3A_30, %dma_start3A_141, %dma_start3A_142] : memref<2x128x64xf32, #tpu.memory_space<vmem>> -> memref<1x128x64xf32, #tpu.memory_space<vmem>>
      %dma_start3A_144 = tpu.memref_squeeze %dma_start3A_143 : memref<1x128x64xf32, #tpu.memory_space<vmem>> -> memref<128x64xf32, #tpu.memory_space<vmem>>
      tpu.enqueue_dma source(%dma_start3A_144 : memref<128x64xf32, #tpu.memory_space<vmem>>) target(%dma_start3A_140 : memref<128x64xf32, #tpu.memory_space<vmem_shared>>) target_semaphore(%run_scoped3A_132 : memref<!tpu.dma_semaphore, #tpu.memory_space<semaphore_mem>>)
      %dma_wait3A_145 = arith.constant 0 : i32
      %dma_wait3A_146 = arith.constant 0 : i32
      %dma_wait3A_147 = tpu.memref_slice %arg13[%run_scoped3A_30, %dma_wait3A_145, %dma_wait3A_146] : memref<2x128x64xf32, #tpu.memory_space<vmem>> -> memref<1x128x64xf32, #tpu.memory_space<vmem>>
      %dma_wait3A_148 = tpu.memref_squeeze %dma_wait3A_147 : memref<1x128x64xf32, #tpu.memory_space<vmem>> -> memref<128x64xf32, #tpu.memory_space<vmem>>
      %dma_wait3A_149 = arith.constant 0 : i32
      %dma_wait3A_150 = tpu.memref_slice %arg8[%add3A_29, %dma_wait3A_149] : memref<10112x64xf32, #tpu.memory_space<vmem_shared>> -> memref<128x64xf32, #tpu.memory_space<vmem_shared>>
      %dma_wait3A_151 = arith.constant 0 : i32
      %dma_wait3A_152 = tpu.memref_slice %arg8[%add3A_29, %dma_wait3A_151] : memref<10112x64xf32, #tpu.memory_space<vmem_shared>> -> memref<128x64xf32, #tpu.memory_space<vmem_shared>>
      %dma_wait3A_153 = arith.constant 0 : i32
      %dma_wait3A_154 = arith.constant 0 : i32
      %dma_wait3A_155 = tpu.memref_slice %arg13[%run_scoped3A_30, %dma_wait3A_153, %dma_wait3A_154] : memref<2x128x64xf32, #tpu.memory_space<vmem>> -> memref<1x128x64xf32, #tpu.memory_space<vmem>>
      %dma_wait3A_156 = tpu.memref_squeeze %dma_wait3A_155 : memref<1x128x64xf32, #tpu.memory_space<vmem>> -> memref<128x64xf32, #tpu.memory_space<vmem>>
      tpu.wait_dma2 semaphore(%run_scoped3A_132 : memref<!tpu.dma_semaphore, #tpu.memory_space<semaphore_mem>>) src(%dma_wait3A_156 : memref<128x64xf32, #tpu.memory_space<vmem>>) dst(%dma_wait3A_152 : memref<128x64xf32, #tpu.memory_space<vmem_shared>>)
      tpu.yield
    }) : () -> ()
    %add3A_31 = arith.constant 384 : i32
    %add3A_32 = arith.addi %mul3A_11, %add3A_31 : i32
    %run_scoped3A_33 = arith.constant 0 : i32
    "tpu.region"() ({
      %run_scoped3A_132 = tpu.sem_alloc : memref<!tpu.dma_semaphore, #tpu.memory_space<semaphore_mem>>
      %dma_start3A_133 = arith.constant 0 : i32
      %dma_start3A_134 = arith.constant 0 : i32
      %dma_start3A_135 = tpu.memref_slice %arg14[%run_scoped3A_33, %dma_start3A_133, %dma_start3A_134] : memref<4x128x16xf32, #tpu.memory_space<vmem>> -> memref<1x128x16xf32, #tpu.memory_space<vmem>>
      %dma_start3A_136 = tpu.memref_squeeze %dma_start3A_135 : memref<1x128x16xf32, #tpu.memory_space<vmem>> -> memref<128x16xf32, #tpu.memory_space<vmem>>
      %dma_start3A_137 = arith.constant 0 : i32
      %dma_start3A_138 = tpu.memref_slice %arg9[%add3A_32, %dma_start3A_137] : memref<10112x16xf32, #tpu.memory_space<vmem_shared>> -> memref<128x16xf32, #tpu.memory_space<vmem_shared>>
      %dma_start3A_139 = arith.constant 0 : i32
      %dma_start3A_140 = tpu.memref_slice %arg9[%add3A_32, %dma_start3A_139] : memref<10112x16xf32, #tpu.memory_space<vmem_shared>> -> memref<128x16xf32, #tpu.memory_space<vmem_shared>>
      %dma_start3A_141 = arith.constant 0 : i32
      %dma_start3A_142 = arith.constant 0 : i32
      %dma_start3A_143 = tpu.memref_slice %arg14[%run_scoped3A_33, %dma_start3A_141, %dma_start3A_142] : memref<4x128x16xf32, #tpu.memory_space<vmem>> -> memref<1x128x16xf32, #tpu.memory_space<vmem>>
      %dma_start3A_144 = tpu.memref_squeeze %dma_start3A_143 : memref<1x128x16xf32, #tpu.memory_space<vmem>> -> memref<128x16xf32, #tpu.memory_space<vmem>>
      tpu.enqueue_dma source(%dma_start3A_144 : memref<128x16xf32, #tpu.memory_space<vmem>>) target(%dma_start3A_140 : memref<128x16xf32, #tpu.memory_space<vmem_shared>>) target_semaphore(%run_scoped3A_132 : memref<!tpu.dma_semaphore, #tpu.memory_space<semaphore_mem>>)
      %dma_wait3A_145 = arith.constant 0 : i32
      %dma_wait3A_146 = arith.constant 0 : i32
      %dma_wait3A_147 = tpu.memref_slice %arg14[%run_scoped3A_33, %dma_wait3A_145, %dma_wait3A_146] : memref<4x128x16xf32, #tpu.memory_space<vmem>> -> memref<1x128x16xf32, #tpu.memory_space<vmem>>
      %dma_wait3A_148 = tpu.memref_squeeze %dma_wait3A_147 : memref<1x128x16xf32, #tpu.memory_space<vmem>> -> memref<128x16xf32, #tpu.memory_space<vmem>>
      %dma_wait3A_149 = arith.constant 0 : i32
      %dma_wait3A_150 = tpu.memref_slice %arg9[%add3A_32, %dma_wait3A_149] : memref<10112x16xf32, #tpu.memory_space<vmem_shared>> -> memref<128x16xf32, #tpu.memory_space<vmem_shared>>
      %dma_wait3A_151 = arith.constant 0 : i32
      %dma_wait3A_152 = tpu.memref_slice %arg9[%add3A_32, %dma_wait3A_151] : memref<10112x16xf32, #tpu.memory_space<vmem_shared>> -> memref<128x16xf32, #tpu.memory_space<vmem_shared>>
      %dma_wait3A_153 = arith.constant 0 : i32
      %dma_wait3A_154 = arith.constant 0 : i32
      %dma_wait3A_155 = tpu.memref_slice %arg14[%run_scoped3A_33, %dma_wait3A_153, %dma_wait3A_154] : memref<4x128x16xf32, #tpu.memory_space<vmem>> -> memref<1x128x16xf32, #tpu.memory_space<vmem>>
      %dma_wait3A_156 = tpu.memref_squeeze %dma_wait3A_155 : memref<1x128x16xf32, #tpu.memory_space<vmem>> -> memref<128x16xf32, #tpu.memory_space<vmem>>
      tpu.wait_dma2 semaphore(%run_scoped3A_132 : memref<!tpu.dma_semaphore, #tpu.memory_space<semaphore_mem>>) src(%dma_wait3A_156 : memref<128x16xf32, #tpu.memory_space<vmem>>) dst(%dma_wait3A_152 : memref<128x16xf32, #tpu.memory_space<vmem_shared>>)
      tpu.yield
    }) : () -> ()
    %add3A_34 = arith.constant 512 : i32
    %add3A_35 = arith.addi %mul3A_11, %add3A_34 : i32
    %run_scoped3A_36 = arith.constant 0 : i32
    "tpu.region"() ({
      %run_scoped3A_132 = tpu.sem_alloc : memref<!tpu.dma_semaphore, #tpu.memory_space<semaphore_mem>>
      %dma_start3A_133 = arith.constant 0 : i32
      %dma_start3A_134 = arith.constant 0 : i32
      %dma_start3A_135 = tpu.memref_slice %arg13[%run_scoped3A_36, %dma_start3A_133, %dma_start3A_134] : memref<2x128x64xf32, #tpu.memory_space<vmem>> -> memref<1x120x64xf32, #tpu.memory_space<vmem>>
      %dma_start3A_136 = tpu.memref_squeeze %dma_start3A_135 : memref<1x120x64xf32, #tpu.memory_space<vmem>> -> memref<120x64xf32, #tpu.memory_space<vmem>>
      %dma_start3A_137 = arith.constant 0 : i32
      %dma_start3A_138 = tpu.memref_slice %arg8[%add3A_35, %dma_start3A_137] : memref<10112x64xf32, #tpu.memory_space<vmem_shared>> -> memref<120x64xf32, #tpu.memory_space<vmem_shared>>
      %dma_start3A_139 = arith.constant 0 : i32
      %dma_start3A_140 = tpu.memref_slice %arg8[%add3A_35, %dma_start3A_139] : memref<10112x64xf32, #tpu.memory_space<vmem_shared>> -> memref<120x64xf32, #tpu.memory_space<vmem_shared>>
      %dma_start3A_141 = arith.constant 0 : i32
      %dma_start3A_142 = arith.constant 0 : i32
      %dma_start3A_143 = tpu.memref_slice %arg13[%run_scoped3A_36, %dma_start3A_141, %dma_start3A_142] : memref<2x128x64xf32, #tpu.memory_space<vmem>> -> memref<1x120x64xf32, #tpu.memory_space<vmem>>
      %dma_start3A_144 = tpu.memref_squeeze %dma_start3A_143 : memref<1x120x64xf32, #tpu.memory_space<vmem>> -> memref<120x64xf32, #tpu.memory_space<vmem>>
      tpu.enqueue_dma source(%dma_start3A_144 : memref<120x64xf32, #tpu.memory_space<vmem>>) target(%dma_start3A_140 : memref<120x64xf32, #tpu.memory_space<vmem_shared>>) target_semaphore(%run_scoped3A_132 : memref<!tpu.dma_semaphore, #tpu.memory_space<semaphore_mem>>)
      %dma_wait3A_145 = arith.constant 0 : i32
      %dma_wait3A_146 = arith.constant 0 : i32
      %dma_wait3A_147 = tpu.memref_slice %arg13[%run_scoped3A_36, %dma_wait3A_145, %dma_wait3A_146] : memref<2x128x64xf32, #tpu.memory_space<vmem>> -> memref<1x120x64xf32, #tpu.memory_space<vmem>>
      %dma_wait3A_148 = tpu.memref_squeeze %dma_wait3A_147 : memref<1x120x64xf32, #tpu.memory_space<vmem>> -> memref<120x64xf32, #tpu.memory_space<vmem>>
      %dma_wait3A_149 = arith.constant 0 : i32
      %dma_wait3A_150 = tpu.memref_slice %arg8[%add3A_35, %dma_wait3A_149] : memref<10112x64xf32, #tpu.memory_space<vmem_shared>> -> memref<120x64xf32, #tpu.memory_space<vmem_shared>>
      %dma_wait3A_151 = arith.constant 0 : i32
      %dma_wait3A_152 = tpu.memref_slice %arg8[%add3A_35, %dma_wait3A_151] : memref<10112x64xf32, #tpu.memory_space<vmem_shared>> -> memref<120x64xf32, #tpu.memory_space<vmem_shared>>
      %dma_wait3A_153 = arith.constant 0 : i32
      %dma_wait3A_154 = arith.constant 0 : i32
      %dma_wait3A_155 = tpu.memref_slice %arg13[%run_scoped3A_36, %dma_wait3A_153, %dma_wait3A_154] : memref<2x128x64xf32, #tpu.memory_space<vmem>> -> memref<1x120x64xf32, #tpu.memory_space<vmem>>
      %dma_wait3A_156 = tpu.memref_squeeze %dma_wait3A_155 : memref<1x120x64xf32, #tpu.memory_space<vmem>> -> memref<120x64xf32, #tpu.memory_space<vmem>>
      tpu.wait_dma2 semaphore(%run_scoped3A_132 : memref<!tpu.dma_semaphore, #tpu.memory_space<semaphore_mem>>) src(%dma_wait3A_156 : memref<120x64xf32, #tpu.memory_space<vmem>>) dst(%dma_wait3A_152 : memref<120x64xf32, #tpu.memory_space<vmem_shared>>)
      tpu.yield
    }) : () -> ()
    %add3A_37 = arith.constant 512 : i32
    %add3A_38 = arith.addi %mul3A_11, %add3A_37 : i32
    %run_scoped3A_39 = arith.constant 0 : i32
    "tpu.region"() ({
      %run_scoped3A_132 = tpu.sem_alloc : memref<!tpu.dma_semaphore, #tpu.memory_space<semaphore_mem>>
      %dma_start3A_133 = arith.constant 0 : i32
      %dma_start3A_134 = arith.constant 0 : i32
      %dma_start3A_135 = tpu.memref_slice %arg14[%run_scoped3A_39, %dma_start3A_133, %dma_start3A_134] : memref<4x128x16xf32, #tpu.memory_space<vmem>> -> memref<1x120x16xf32, #tpu.memory_space<vmem>>
      %dma_start3A_136 = tpu.memref_squeeze %dma_start3A_135 : memref<1x120x16xf32, #tpu.memory_space<vmem>> -> memref<120x16xf32, #tpu.memory_space<vmem>>
      %dma_start3A_137 = arith.constant 0 : i32
      %dma_start3A_138 = tpu.memref_slice %arg9[%add3A_38, %dma_start3A_137] : memref<10112x16xf32, #tpu.memory_space<vmem_shared>> -> memref<120x16xf32, #tpu.memory_space<vmem_shared>>
      %dma_start3A_139 = arith.constant 0 : i32
      %dma_start3A_140 = tpu.memref_slice %arg9[%add3A_38, %dma_start3A_139] : memref<10112x16xf32, #tpu.memory_space<vmem_shared>> -> memref<120x16xf32, #tpu.memory_space<vmem_shared>>
      %dma_start3A_141 = arith.constant 0 : i32
      %dma_start3A_142 = arith.constant 0 : i32
      %dma_start3A_143 = tpu.memref_slice %arg14[%run_scoped3A_39, %dma_start3A_141, %dma_start3A_142] : memref<4x128x16xf32, #tpu.memory_space<vmem>> -> memref<1x120x16xf32, #tpu.memory_space<vmem>>
      %dma_start3A_144 = tpu.memref_squeeze %dma_start3A_143 : memref<1x120x16xf32, #tpu.memory_space<vmem>> -> memref<120x16xf32, #tpu.memory_space<vmem>>
      tpu.enqueue_dma source(%dma_start3A_144 : memref<120x16xf32, #tpu.memory_space<vmem>>) target(%dma_start3A_140 : memref<120x16xf32, #tpu.memory_space<vmem_shared>>) target_semaphore(%run_scoped3A_132 : memref<!tpu.dma_semaphore, #tpu.memory_space<semaphore_mem>>)
      %dma_wait3A_145 = arith.constant 0 : i32
      %dma_wait3A_146 = arith.constant 0 : i32
      %dma_wait3A_147 = tpu.memref_slice %arg14[%run_scoped3A_39, %dma_wait3A_145, %dma_wait3A_146] : memref<4x128x16xf32, #tpu.memory_space<vmem>> -> memref<1x120x16xf32, #tpu.memory_space<vmem>>
      %dma_wait3A_148 = tpu.memref_squeeze %dma_wait3A_147 : memref<1x120x16xf32, #tpu.memory_space<vmem>> -> memref<120x16xf32, #tpu.memory_space<vmem>>
      %dma_wait3A_149 = arith.constant 0 : i32
      %dma_wait3A_150 = tpu.memref_slice %arg9[%add3A_38, %dma_wait3A_149] : memref<10112x16xf32, #tpu.memory_space<vmem_shared>> -> memref<120x16xf32, #tpu.memory_space<vmem_shared>>
      %dma_wait3A_151 = arith.constant 0 : i32
      %dma_wait3A_152 = tpu.memref_slice %arg9[%add3A_38, %dma_wait3A_151] : memref<10112x16xf32, #tpu.memory_space<vmem_shared>> -> memref<120x16xf32, #tpu.memory_space<vmem_shared>>
      %dma_wait3A_153 = arith.constant 0 : i32
      %dma_wait3A_154 = arith.constant 0 : i32
      %dma_wait3A_155 = tpu.memref_slice %arg14[%run_scoped3A_39, %dma_wait3A_153, %dma_wait3A_154] : memref<4x128x16xf32, #tpu.memory_space<vmem>> -> memref<1x120x16xf32, #tpu.memory_space<vmem>>
      %dma_wait3A_156 = tpu.memref_squeeze %dma_wait3A_155 : memref<1x120x16xf32, #tpu.memory_space<vmem>> -> memref<120x16xf32, #tpu.memory_space<vmem>>
      tpu.wait_dma2 semaphore(%run_scoped3A_132 : memref<!tpu.dma_semaphore, #tpu.memory_space<semaphore_mem>>) src(%dma_wait3A_156 : memref<120x16xf32, #tpu.memory_space<vmem>>) dst(%dma_wait3A_152 : memref<120x16xf32, #tpu.memory_space<vmem_shared>>)
      tpu.yield
    }) : () -> ()
    "tpu.region"() ({
      %run_scoped3A_132 = tpu.sem_alloc : memref<!tpu.dma_semaphore, #tpu.memory_space<semaphore_mem>>
      %dma_start3A_133 = arith.constant 0 : i32
      %dma_start3A_134 = arith.constant 0 : i32
      %dma_start3A_135 = tpu.memref_slice %arg3[%arg0, %arg1, %dma_start3A_133, %dma_start3A_134] : memref<2x16x160x128xi32, #tpu.memory_space<hbm>> -> memref<1x1x160x128xi32, #tpu.memory_space<hbm>>
      %dma_start3A_136 = tpu.memref_squeeze %dma_start3A_135 : memref<1x1x160x128xi32, #tpu.memory_space<hbm>> -> memref<160x128xi32, #tpu.memory_space<hbm>>
      %dma_start3A_137 = arith.constant 0 : i32
      %dma_start3A_138 = arith.constant 0 : i32
      %dma_start3A_139 = tpu.memref_slice %arg3[%arg0, %arg1, %dma_start3A_137, %dma_start3A_138] : memref<2x16x160x128xi32, #tpu.memory_space<hbm>> -> memref<1x1x160x128xi32, #tpu.memory_space<hbm>>
      %dma_start3A_140 = tpu.memref_squeeze %dma_start3A_139 : memref<1x1x160x128xi32, #tpu.memory_space<hbm>> -> memref<160x128xi32, #tpu.memory_space<hbm>>
      tpu.enqueue_dma source(%dma_start3A_140 : memref<160x128xi32, #tpu.memory_space<hbm>>) target(%arg10 : memref<160x128xi32, #tpu.memory_space<vmem>>) target_semaphore(%run_scoped3A_132 : memref<!tpu.dma_semaphore, #tpu.memory_space<semaphore_mem>>)
      %dma_wait3A_141 = arith.constant 0 : i32
      %dma_wait3A_142 = arith.constant 0 : i32
      %dma_wait3A_143 = tpu.memref_slice %arg3[%arg0, %arg1, %dma_wait3A_141, %dma_wait3A_142] : memref<2x16x160x128xi32, #tpu.memory_space<hbm>> -> memref<1x1x160x128xi32, #tpu.memory_space<hbm>>
      %dma_wait3A_144 = tpu.memref_squeeze %dma_wait3A_143 : memref<1x1x160x128xi32, #tpu.memory_space<hbm>> -> memref<160x128xi32, #tpu.memory_space<hbm>>
      %dma_wait3A_145 = arith.constant 0 : i32
      %dma_wait3A_146 = arith.constant 0 : i32
      %dma_wait3A_147 = tpu.memref_slice %arg3[%arg0, %arg1, %dma_wait3A_145, %dma_wait3A_146] : memref<2x16x160x128xi32, #tpu.memory_space<hbm>> -> memref<1x1x160x128xi32, #tpu.memory_space<hbm>>
      %dma_wait3A_148 = tpu.memref_squeeze %dma_wait3A_147 : memref<1x1x160x128xi32, #tpu.memory_space<hbm>> -> memref<160x128xi32, #tpu.memory_space<hbm>>
      tpu.wait_dma2 semaphore(%run_scoped3A_132 : memref<!tpu.dma_semaphore, #tpu.memory_space<semaphore_mem>>) src(%dma_wait3A_148 : memref<160x128xi32, #tpu.memory_space<hbm>>) dst(%arg10 : memref<160x128xi32, #tpu.memory_space<vmem>>)
      tpu.yield
    }) : () -> ()
    %barrier3A = arith.constant 0 : index
    tpu.barrier barrier_id(%barrier3A)
    %mul3A_40 = arith.constant 20480 : i32
    %mul3A_41 = arith.muli %arg1, %mul3A_40 : i32
    %dma_start3A = arith.constant 0 : i32
    %dma_start3A_42 = arith.constant 0 : i32
    %dma_start3A_43 = arith.constant 0 : i32
    %dma_start3A_44 = arith.constant 0 : i32
    %dma_start3A_45 = tpu.memref_slice %arg12[%dma_start3A_42, %dma_start3A_43, %dma_start3A_44] : memref<4x128x64xbf16, #tpu.memory_space<vmem>> -> memref<1x128x64xbf16, #tpu.memory_space<vmem>>
    %dma_start3A_46 = tpu.memref_squeeze %dma_start3A_45 : memref<1x128x64xbf16, #tpu.memory_space<vmem>> -> memref<128x64xbf16, #tpu.memory_space<vmem>>
    %dma_start3A_47 = arith.constant 0 : i32
    %dma_start3A_48 = tpu.memref_slice %arg10[%dma_start3A, %dma_start3A_47] : memref<160x128xi32, #tpu.memory_space<vmem>> -> memref<1x128xi32, #tpu.memory_space<vmem>>
    %dma_start3A_49 = tpu.memref_squeeze %dma_start3A_48 : memref<1x128xi32, #tpu.memory_space<vmem>> -> memref<128xi32, #tpu.memory_space<vmem>>
    %dma_start3A_50 = arith.constant 0 : i32
    %dma_start3A_51 = arith.constant 0 : i32
    %dma_start3A_52 = tpu.memref_slice %arg2[%dma_start3A_50, %dma_start3A_51] : memref<20000x64xbf16, #tpu.memory_space<hbm>> -> memref<20000x64xbf16, #tpu.memory_space<hbm>>
    tpu.enqueue_indirect_dma source(%dma_start3A_52 : memref<20000x64xbf16, #tpu.memory_space<hbm>>) target(%dma_start3A_46 : memref<128x64xbf16, #tpu.memory_space<vmem>>) offsets(%dma_start3A_49 : memref<128xi32, #tpu.memory_space<vmem>>) semaphore(%arg16 : memref<!tpu.dma_semaphore, #tpu.memory_space<semaphore_mem>>)
    %eq3A_53 = arith.constant 0 : i32
    %eq3A_54 = arith.cmpi eq, %arg0, %eq3A_53 : i32
    %convert_element_type3A = arith.extui %eq3A_54 : i1 to i32
    %cond3A = arith.constant 0 : i32
    %cond3A_55 = arith.cmpi ne, %convert_element_type3A, %cond3A : i32
    scf.if %cond3A_55 {
      %add3A_132 = arith.constant 0 : i32
      %add3A_133 = arith.addi %mul3A_41, %add3A_132 : i32
      %min3A = arith.constant 319872 : i32
      %min3A_134 = arith.minsi %add3A_133, %min3A : i32
      %dma_start3A_135 = arith.constant 0 : i32
      %dma_start3A_136 = arith.constant 0 : i32
      %dma_start3A_137 = arith.constant 0 : i32
      %dma_start3A_138 = tpu.memref_slice %arg14[%dma_start3A_135, %dma_start3A_136, %dma_start3A_137] : memref<4x128x16xf32, #tpu.memory_space<vmem>> -> memref<1x128x16xf32, #tpu.memory_space<vmem>>
      %dma_start3A_139 = tpu.memref_squeeze %dma_start3A_138 : memref<1x128x16xf32, #tpu.memory_space<vmem>> -> memref<128x16xf32, #tpu.memory_space<vmem>>
      %dma_start3A_140 = arith.constant 0 : i32
      %dma_start3A_141 = tpu.memref_slice %arg5[%min3A_134, %dma_start3A_140] : memref<320000x16xf32, #tpu.memory_space<hbm>> -> memref<128x16xf32, #tpu.memory_space<hbm>>
      %dma_start3A_142 = arith.constant 0 : i32
      %dma_start3A_143 = arith.constant 0 : i32
      %dma_start3A_144 = tpu.memref_slice %arg14[%dma_start3A_135, %dma_start3A_142, %dma_start3A_143] : memref<4x128x16xf32, #tpu.memory_space<vmem>> -> memref<1x128x16xf32, #tpu.memory_space<vmem>>
      %dma_start3A_145 = tpu.memref_squeeze %dma_start3A_144 : memref<1x128x16xf32, #tpu.memory_space<vmem>> -> memref<128x16xf32, #tpu.memory_space<vmem>>
      %dma_start3A_146 = arith.constant 0 : i32
      %dma_start3A_147 = tpu.memref_slice %arg5[%min3A_134, %dma_start3A_146] : memref<320000x16xf32, #tpu.memory_space<hbm>> -> memref<128x16xf32, #tpu.memory_space<hbm>>
      tpu.enqueue_dma source(%dma_start3A_147 : memref<128x16xf32, #tpu.memory_space<hbm>>) target(%dma_start3A_145 : memref<128x16xf32, #tpu.memory_space<vmem>>) target_semaphore(%arg17 : memref<!tpu.dma_semaphore, #tpu.memory_space<semaphore_mem>>)
    } else {
    }
    %dma_start3A_56 = arith.constant 1 : i32
    %dma_start3A_57 = arith.constant 1 : i32
    %dma_start3A_58 = arith.constant 0 : i32
    %dma_start3A_59 = arith.constant 0 : i32
    %dma_start3A_60 = tpu.memref_slice %arg12[%dma_start3A_57, %dma_start3A_58, %dma_start3A_59] : memref<4x128x64xbf16, #tpu.memory_space<vmem>> -> memref<1x128x64xbf16, #tpu.memory_space<vmem>>
    %dma_start3A_61 = tpu.memref_squeeze %dma_start3A_60 : memref<1x128x64xbf16, #tpu.memory_space<vmem>> -> memref<128x64xbf16, #tpu.memory_space<vmem>>
    %dma_start3A_62 = arith.constant 0 : i32
    %dma_start3A_63 = tpu.memref_slice %arg10[%dma_start3A_56, %dma_start3A_62] : memref<160x128xi32, #tpu.memory_space<vmem>> -> memref<1x128xi32, #tpu.memory_space<vmem>>
    %dma_start3A_64 = tpu.memref_squeeze %dma_start3A_63 : memref<1x128xi32, #tpu.memory_space<vmem>> -> memref<128xi32, #tpu.memory_space<vmem>>
    %dma_start3A_65 = arith.constant 0 : i32
    %dma_start3A_66 = arith.constant 0 : i32
    %dma_start3A_67 = tpu.memref_slice %arg2[%dma_start3A_65, %dma_start3A_66] : memref<20000x64xbf16, #tpu.memory_space<hbm>> -> memref<20000x64xbf16, #tpu.memory_space<hbm>>
    tpu.enqueue_indirect_dma source(%dma_start3A_67 : memref<20000x64xbf16, #tpu.memory_space<hbm>>) target(%dma_start3A_61 : memref<128x64xbf16, #tpu.memory_space<vmem>>) offsets(%dma_start3A_64 : memref<128xi32, #tpu.memory_space<vmem>>) semaphore(%arg16 : memref<!tpu.dma_semaphore, #tpu.memory_space<semaphore_mem>>)
    %eq3A_68 = arith.constant 0 : i32
    %eq3A_69 = arith.cmpi eq, %arg0, %eq3A_68 : i32
    %convert_element_type3A_70 = arith.extui %eq3A_69 : i1 to i32
    %cond3A_71 = arith.constant 0 : i32
    %cond3A_72 = arith.cmpi ne, %convert_element_type3A_70, %cond3A_71 : i32
    scf.if %cond3A_72 {
      %add3A_132 = arith.constant 128 : i32
      %add3A_133 = arith.addi %mul3A_41, %add3A_132 : i32
      %min3A = arith.constant 319872 : i32
      %min3A_134 = arith.minsi %add3A_133, %min3A : i32
      %dma_start3A_135 = arith.constant 1 : i32
      %dma_start3A_136 = arith.constant 0 : i32
      %dma_start3A_137 = arith.constant 0 : i32
      %dma_start3A_138 = tpu.memref_slice %arg14[%dma_start3A_135, %dma_start3A_136, %dma_start3A_137] : memref<4x128x16xf32, #tpu.memory_space<vmem>> -> memref<1x128x16xf32, #tpu.memory_space<vmem>>
      %dma_start3A_139 = tpu.memref_squeeze %dma_start3A_138 : memref<1x128x16xf32, #tpu.memory_space<vmem>> -> memref<128x16xf32, #tpu.memory_space<vmem>>
      %dma_start3A_140 = arith.constant 0 : i32
      %dma_start3A_141 = tpu.memref_slice %arg5[%min3A_134, %dma_start3A_140] : memref<320000x16xf32, #tpu.memory_space<hbm>> -> memref<128x16xf32, #tpu.memory_space<hbm>>
      %dma_start3A_142 = arith.constant 0 : i32
      %dma_start3A_143 = arith.constant 0 : i32
      %dma_start3A_144 = tpu.memref_slice %arg14[%dma_start3A_135, %dma_start3A_142, %dma_start3A_143] : memref<4x128x16xf32, #tpu.memory_space<vmem>> -> memref<1x128x16xf32, #tpu.memory_space<vmem>>
      %dma_start3A_145 = tpu.memref_squeeze %dma_start3A_144 : memref<1x128x16xf32, #tpu.memory_space<vmem>> -> memref<128x16xf32, #tpu.memory_space<vmem>>
      %dma_start3A_146 = arith.constant 0 : i32
      %dma_start3A_147 = tpu.memref_slice %arg5[%min3A_134, %dma_start3A_146] : memref<320000x16xf32, #tpu.memory_space<hbm>> -> memref<128x16xf32, #tpu.memory_space<hbm>>
      tpu.enqueue_dma source(%dma_start3A_147 : memref<128x16xf32, #tpu.memory_space<hbm>>) target(%dma_start3A_145 : memref<128x16xf32, #tpu.memory_space<vmem>>) target_semaphore(%arg17 : memref<!tpu.dma_semaphore, #tpu.memory_space<semaphore_mem>>)
    } else {
    }
    %dma_start3A_73 = arith.constant 2 : i32
    %dma_start3A_74 = arith.constant 2 : i32
    %dma_start3A_75 = arith.constant 0 : i32
    %dma_start3A_76 = arith.constant 0 : i32
    %dma_start3A_77 = tpu.memref_slice %arg12[%dma_start3A_74, %dma_start3A_75, %dma_start3A_76] : memref<4x128x64xbf16, #tpu.memory_space<vmem>> -> memref<1x128x64xbf16, #tpu.memory_space<vmem>>
    %dma_start3A_78 = tpu.memref_squeeze %dma_start3A_77 : memref<1x128x64xbf16, #tpu.memory_space<vmem>> -> memref<128x64xbf16, #tpu.memory_space<vmem>>
    %dma_start3A_79 = arith.constant 0 : i32
    %dma_start3A_80 = tpu.memref_slice %arg10[%dma_start3A_73, %dma_start3A_79] : memref<160x128xi32, #tpu.memory_space<vmem>> -> memref<1x128xi32, #tpu.memory_space<vmem>>
    %dma_start3A_81 = tpu.memref_squeeze %dma_start3A_80 : memref<1x128xi32, #tpu.memory_space<vmem>> -> memref<128xi32, #tpu.memory_space<vmem>>
    %dma_start3A_82 = arith.constant 0 : i32
    %dma_start3A_83 = arith.constant 0 : i32
    %dma_start3A_84 = tpu.memref_slice %arg2[%dma_start3A_82, %dma_start3A_83] : memref<20000x64xbf16, #tpu.memory_space<hbm>> -> memref<20000x64xbf16, #tpu.memory_space<hbm>>
    tpu.enqueue_indirect_dma source(%dma_start3A_84 : memref<20000x64xbf16, #tpu.memory_space<hbm>>) target(%dma_start3A_78 : memref<128x64xbf16, #tpu.memory_space<vmem>>) offsets(%dma_start3A_81 : memref<128xi32, #tpu.memory_space<vmem>>) semaphore(%arg16 : memref<!tpu.dma_semaphore, #tpu.memory_space<semaphore_mem>>)
    %eq3A_85 = arith.constant 0 : i32
    %eq3A_86 = arith.cmpi eq, %arg0, %eq3A_85 : i32
    %convert_element_type3A_87 = arith.extui %eq3A_86 : i1 to i32
    %cond3A_88 = arith.constant 0 : i32
    %cond3A_89 = arith.cmpi ne, %convert_element_type3A_87, %cond3A_88 : i32
    scf.if %cond3A_89 {
      %add3A_132 = arith.constant 256 : i32
      %add3A_133 = arith.addi %mul3A_41, %add3A_132 : i32
      %min3A = arith.constant 319872 : i32
      %min3A_134 = arith.minsi %add3A_133, %min3A : i32
      %dma_start3A_135 = arith.constant 2 : i32
      %dma_start3A_136 = arith.constant 0 : i32
      %dma_start3A_137 = arith.constant 0 : i32
      %dma_start3A_138 = tpu.memref_slice %arg14[%dma_start3A_135, %dma_start3A_136, %dma_start3A_137] : memref<4x128x16xf32, #tpu.memory_space<vmem>> -> memref<1x128x16xf32, #tpu.memory_space<vmem>>
      %dma_start3A_139 = tpu.memref_squeeze %dma_start3A_138 : memref<1x128x16xf32, #tpu.memory_space<vmem>> -> memref<128x16xf32, #tpu.memory_space<vmem>>
      %dma_start3A_140 = arith.constant 0 : i32
      %dma_start3A_141 = tpu.memref_slice %arg5[%min3A_134, %dma_start3A_140] : memref<320000x16xf32, #tpu.memory_space<hbm>> -> memref<128x16xf32, #tpu.memory_space<hbm>>
      %dma_start3A_142 = arith.constant 0 : i32
      %dma_start3A_143 = arith.constant 0 : i32
      %dma_start3A_144 = tpu.memref_slice %arg14[%dma_start3A_135, %dma_start3A_142, %dma_start3A_143] : memref<4x128x16xf32, #tpu.memory_space<vmem>> -> memref<1x128x16xf32, #tpu.memory_space<vmem>>
      %dma_start3A_145 = tpu.memref_squeeze %dma_start3A_144 : memref<1x128x16xf32, #tpu.memory_space<vmem>> -> memref<128x16xf32, #tpu.memory_space<vmem>>
      %dma_start3A_146 = arith.constant 0 : i32
      %dma_start3A_147 = tpu.memref_slice %arg5[%min3A_134, %dma_start3A_146] : memref<320000x16xf32, #tpu.memory_space<hbm>> -> memref<128x16xf32, #tpu.memory_space<hbm>>
      tpu.enqueue_dma source(%dma_start3A_147 : memref<128x16xf32, #tpu.memory_space<hbm>>) target(%dma_start3A_145 : memref<128x16xf32, #tpu.memory_space<vmem>>) target_semaphore(%arg17 : memref<!tpu.dma_semaphore, #tpu.memory_space<semaphore_mem>>)
    } else {
    }
    %scan3A_90 = arith.constant 0 : i32
    %scan3A_91 = arith.constant 0 : i32
    %scan3A_92 = arith.constant 160 : i32
    %scan3A_93 = arith.addi %scan3A_91, %scan3A_92 : i32
    %scan3A_94 = arith.constant 1 : i32
    scf.for %scan3A_132 = %scan3A_91 to %scan3A_93 step %scan3A_94  : i32 {
      %jit3A_133 = arith.constant 8 : i32
      %div3A = arith.divsi %scan3A_132, %jit3A_133 : i32
      %sign3A = arith.constant 0 : i32
      %sign3A_134 = arith.cmpi sgt, %scan3A_132, %sign3A : i32
      %sign3A_135 = arith.extui %sign3A_134 : i1 to i32
      %sign3A_136 = arith.constant 0 : i32
      %sign3A_137 = arith.cmpi slt, %scan3A_132, %sign3A_136 : i32
      %sign3A_138 = arith.extui %sign3A_137 : i1 to i32
      %sign3A_139 = arith.subi %sign3A_135, %sign3A_138 : i32
      %sign3A_140 = arith.constant 0 : i32
      %sign3A_141 = arith.cmpi sgt, %jit3A_133, %sign3A_140 : i32
      %sign3A_142 = arith.extui %sign3A_141 : i1 to i32
      %sign3A_143 = arith.constant 0 : i32
      %sign3A_144 = arith.cmpi slt, %jit3A_133, %sign3A_143 : i32
      %sign3A_145 = arith.extui %sign3A_144 : i1 to i32
      %sign3A_146 = arith.subi %sign3A_142, %sign3A_145 : i32
      %ne3A = arith.cmpi ne, %sign3A_139, %sign3A_146 : i32
      %rem3A = arith.remsi %scan3A_132, %jit3A_133 : i32
      %ne3A_147 = arith.constant 0 : i32
      %ne3A_148 = arith.cmpi ne, %rem3A, %ne3A_147 : i32
      %and3A = arith.andi %ne3A, %ne3A_148 : i1
      %sub3A = arith.constant 1 : i32
      %sub3A_149 = arith.subi %div3A, %sub3A : i32
      %select_n3A_150 = arith.select %and3A, %sub3A_149, %div3A : i32
      %jit3A_151 = arith.constant 8 : i32
      %eq3A_152 = arith.constant 0 : i32
      %eq3A_153 = arith.cmpi eq, %jit3A_151, %eq3A_152 : i32
      %jit3A_154 = arith.constant 1 : i32
      %select_n3A_155 = arith.select %eq3A_153, %jit3A_154, %jit3A_151 : i32
      %rem3A_156 = arith.remsi %scan3A_132, %select_n3A_155 : i32
      %ne3A_157 = arith.constant 0 : i32
      %ne3A_158 = arith.cmpi ne, %rem3A_156, %ne3A_157 : i32
      %lt3A = arith.constant 0 : i32
      %lt3A_159 = arith.cmpi slt, %rem3A_156, %lt3A : i32
      %lt3A_160 = arith.constant 0 : i32
      %lt3A_161 = arith.cmpi slt, %select_n3A_155, %lt3A_160 : i32
      %ne3A_162 = arith.xori %lt3A_159, %lt3A_161 : i1
      %and3A_163 = arith.andi %ne3A_162, %ne3A_158 : i1
      %add3A_164 = arith.addi %rem3A_156, %select_n3A_155 : i32
      %select_n3A_165 = arith.select %and3A_163, %add3A_164, %rem3A_156 : i32
      %rem3A_166 = arith.constant 4 : i32
      %rem3A_167 = arith.remsi %scan3A_132, %rem3A_166 : i32
      %add3A_168 = arith.constant 4 : i32
      %add3A_169 = arith.addi %scan3A_132, %add3A_168 : i32
      %sub3A_170 = arith.constant 1 : i32
      %sub3A_171 = arith.subi %add3A_169, %sub3A_170 : i32
      %rem3A_172 = arith.constant 4 : i32
      %rem3A_173 = arith.remsi %sub3A_171, %rem3A_172 : i32
      %rem3A_174 = arith.constant 2 : i32
      %rem3A_175 = arith.remsi %scan3A_132, %rem3A_174 : i32
      %eq3A_176 = arith.constant 0 : i32
      %eq3A_177 = arith.cmpi eq, %select_n3A_165, %eq3A_176 : i32
      %convert_element_type3A_178 = arith.extui %eq3A_177 : i1 to i32
      %cond3A_179 = arith.constant 0 : i32
      %cond3A_180 = arith.cmpi ne, %convert_element_type3A_178, %cond3A_179 : i32
      scf.if %cond3A_180 {
        "tpu.region"() ({
          %run_scoped3A_240 = tpu.sem_alloc : memref<!tpu.dma_semaphore, #tpu.memory_space<semaphore_mem>>
          %dma_start3A_241 = arith.constant 0 : i32
          %dma_start3A_242 = arith.constant 0 : i32
          %dma_start3A_243 = tpu.memref_slice %arg4[%arg1, %select_n3A_150, %dma_start3A_241, %dma_start3A_242] : memref<16x20x8x128xi32, #tpu.memory_space<hbm>> -> memref<1x1x8x128xi32, #tpu.memory_space<hbm>>
          %dma_start3A_244 = tpu.memref_squeeze %dma_start3A_243 : memref<1x1x8x128xi32, #tpu.memory_space<hbm>> -> memref<8x128xi32, #tpu.memory_space<hbm>>
          %dma_start3A_245 = arith.constant 0 : i32
          %dma_start3A_246 = arith.constant 0 : i32
          %dma_start3A_247 = tpu.memref_slice %arg4[%arg1, %select_n3A_150, %dma_start3A_245, %dma_start3A_246] : memref<16x20x8x128xi32, #tpu.memory_space<hbm>> -> memref<1x1x8x128xi32, #tpu.memory_space<hbm>>
          %dma_start3A_248 = tpu.memref_squeeze %dma_start3A_247 : memref<1x1x8x128xi32, #tpu.memory_space<hbm>> -> memref<8x128xi32, #tpu.memory_space<hbm>>
          tpu.enqueue_dma source(%dma_start3A_248 : memref<8x128xi32, #tpu.memory_space<hbm>>) target(%arg11 : memref<8x128xi32, #tpu.memory_space<vmem>>) target_semaphore(%run_scoped3A_240 : memref<!tpu.dma_semaphore, #tpu.memory_space<semaphore_mem>>)
          %dma_wait3A_249 = arith.constant 0 : i32
          %dma_wait3A_250 = arith.constant 0 : i32
          %dma_wait3A_251 = tpu.memref_slice %arg4[%arg1, %select_n3A_150, %dma_wait3A_249, %dma_wait3A_250] : memref<16x20x8x128xi32, #tpu.memory_space<hbm>> -> memref<1x1x8x128xi32, #tpu.memory_space<hbm>>
          %dma_wait3A_252 = tpu.memref_squeeze %dma_wait3A_251 : memref<1x1x8x128xi32, #tpu.memory_space<hbm>> -> memref<8x128xi32, #tpu.memory_space<hbm>>
          %dma_wait3A_253 = arith.constant 0 : i32
          %dma_wait3A_254 = arith.constant 0 : i32
          %dma_wait3A_255 = tpu.memref_slice %arg4[%arg1, %select_n3A_150, %dma_wait3A_253, %dma_wait3A_254] : memref<16x20x8x128xi32, #tpu.memory_space<hbm>> -> memref<1x1x8x128xi32, #tpu.memory_space<hbm>>
          %dma_wait3A_256 = tpu.memref_squeeze %dma_wait3A_255 : memref<1x1x8x128xi32, #tpu.memory_space<hbm>> -> memref<8x128xi32, #tpu.memory_space<hbm>>
          tpu.wait_dma2 semaphore(%run_scoped3A_240 : memref<!tpu.dma_semaphore, #tpu.memory_space<semaphore_mem>>) src(%dma_wait3A_256 : memref<8x128xi32, #tpu.memory_space<hbm>>) dst(%arg11 : memref<8x128xi32, #tpu.memory_space<vmem>>)
          tpu.yield
        }) : () -> ()
      } else {
      }
      %dma_wait3A_181 = arith.constant 0 : i32
      %dma_wait3A_182 = arith.constant 0 : i32
      %dma_wait3A_183 = tpu.memref_slice %arg12[%rem3A_167, %dma_wait3A_181, %dma_wait3A_182] : memref<4x128x64xbf16, #tpu.memory_space<vmem>> -> memref<1x128x64xbf16, #tpu.memory_space<vmem>>
      %dma_wait3A_184 = tpu.memref_squeeze %dma_wait3A_183 : memref<1x128x64xbf16, #tpu.memory_space<vmem>> -> memref<128x64xbf16, #tpu.memory_space<vmem>>
      %dma_wait3A_185 = arith.constant 0 : i32
      %dma_wait3A_186 = tpu.memref_slice %arg10[%scan3A_132, %dma_wait3A_185] : memref<160x128xi32, #tpu.memory_space<vmem>> -> memref<1x128xi32, #tpu.memory_space<vmem>>
      %dma_wait3A_187 = tpu.memref_squeeze %dma_wait3A_186 : memref<1x128xi32, #tpu.memory_space<vmem>> -> memref<128xi32, #tpu.memory_space<vmem>>
      %dma_wait3A_188 = arith.constant 0 : i32
      %dma_wait3A_189 = arith.constant 0 : i32
      %dma_wait3A_190 = tpu.memref_slice %arg2[%dma_wait3A_188, %dma_wait3A_189] : memref<20000x64xbf16, #tpu.memory_space<hbm>> -> memref<20000x64xbf16, #tpu.memory_space<hbm>>
      tpu.wait_indirect_dma semaphore(%arg16 : memref<!tpu.dma_semaphore, #tpu.memory_space<semaphore_mem>>) src(%dma_wait3A_190 : memref<20000x64xbf16, #tpu.memory_space<hbm>>) dst(%dma_wait3A_184 : memref<128x64xbf16, #tpu.memory_space<vmem>>)
      %eq3A_191 = arith.constant 0 : i32
      %eq3A_192 = arith.cmpi eq, %arg0, %eq3A_191 : i32
      %convert_element_type3A_193 = arith.extui %eq3A_192 : i1 to i32
      %cond3A_194 = arith.constant 0 : i32
      %cond3A_195 = arith.cmpi ne, %convert_element_type3A_193, %cond3A_194 : i32
      scf.if %cond3A_195 {
        %mul3A_240 = arith.constant 128 : i32
        %mul3A_241 = arith.muli %scan3A_132, %mul3A_240 : i32
        %add3A_242 = arith.addi %mul3A_41, %mul3A_241 : i32
        %min3A = arith.constant 319872 : i32
        %min3A_243 = arith.minsi %add3A_242, %min3A : i32
        %dma_wait3A_244 = arith.constant 0 : i32
        %dma_wait3A_245 = arith.constant 0 : i32
        %dma_wait3A_246 = tpu.memref_slice %arg14[%rem3A_167, %dma_wait3A_244, %dma_wait3A_245] : memref<4x128x16xf32, #tpu.memory_space<vmem>> -> memref<1x128x16xf32, #tpu.memory_space<vmem>>
        %dma_wait3A_247 = tpu.memref_squeeze %dma_wait3A_246 : memref<1x128x16xf32, #tpu.memory_space<vmem>> -> memref<128x16xf32, #tpu.memory_space<vmem>>
        %dma_wait3A_248 = arith.constant 0 : i32
        %dma_wait3A_249 = tpu.memref_slice %arg5[%min3A_243, %dma_wait3A_248] : memref<320000x16xf32, #tpu.memory_space<hbm>> -> memref<128x16xf32, #tpu.memory_space<hbm>>
        %dma_wait3A_250 = arith.constant 0 : i32
        %dma_wait3A_251 = arith.constant 0 : i32
        %dma_wait3A_252 = tpu.memref_slice %arg14[%rem3A_167, %dma_wait3A_250, %dma_wait3A_251] : memref<4x128x16xf32, #tpu.memory_space<vmem>> -> memref<1x128x16xf32, #tpu.memory_space<vmem>>
        %dma_wait3A_253 = tpu.memref_squeeze %dma_wait3A_252 : memref<1x128x16xf32, #tpu.memory_space<vmem>> -> memref<128x16xf32, #tpu.memory_space<vmem>>
        %dma_wait3A_254 = arith.constant 0 : i32
        %dma_wait3A_255 = tpu.memref_slice %arg5[%min3A_243, %dma_wait3A_254] : memref<320000x16xf32, #tpu.memory_space<hbm>> -> memref<128x16xf32, #tpu.memory_space<hbm>>
        tpu.wait_dma2 semaphore(%arg17 : memref<!tpu.dma_semaphore, #tpu.memory_space<semaphore_mem>>) src(%dma_wait3A_255 : memref<128x16xf32, #tpu.memory_space<hbm>>) dst(%dma_wait3A_253 : memref<128x16xf32, #tpu.memory_space<vmem>>)
      } else {
      }
      %ge3A = arith.constant 2 : i32
      %ge3A_196 = arith.cmpi sge, %scan3A_132, %ge3A : i32
      %convert_element_type3A_197 = arith.extui %ge3A_196 : i1 to i32
      %cond3A_198 = arith.constant 0 : i32
      %cond3A_199 = arith.cmpi ne, %convert_element_type3A_197, %cond3A_198 : i32
      scf.if %cond3A_199 {
        %dma_wait3A_240 = arith.constant 0 : i32
        %dma_wait3A_241 = arith.constant 0 : i32
        %dma_wait3A_242 = tpu.memref_slice %arg13[%rem3A_175, %dma_wait3A_240, %dma_wait3A_241] : memref<2x128x64xf32, #tpu.memory_space<vmem>> -> memref<1x128x64xf32, #tpu.memory_space<vmem>>
        %dma_wait3A_243 = tpu.memref_squeeze %dma_wait3A_242 : memref<1x128x64xf32, #tpu.memory_space<vmem>> -> memref<128x64xf32, #tpu.memory_space<vmem>>
        %dma_wait3A_244 = arith.constant 0 : i32
        %dma_wait3A_245 = tpu.memref_slice %arg11[%select_n3A_165, %dma_wait3A_244] : memref<8x128xi32, #tpu.memory_space<vmem>> -> memref<1x128xi32, #tpu.memory_space<vmem>>
        %dma_wait3A_246 = tpu.memref_squeeze %dma_wait3A_245 : memref<1x128xi32, #tpu.memory_space<vmem>> -> memref<128xi32, #tpu.memory_space<vmem>>
        %dma_wait3A_247 = arith.constant 0 : i32
        %dma_wait3A_248 = arith.constant 0 : i32
        %dma_wait3A_249 = tpu.memref_slice %arg8[%dma_wait3A_247, %dma_wait3A_248] : memref<10112x64xf32, #tpu.memory_space<vmem_shared>> -> memref<10112x64xf32, #tpu.memory_space<vmem_shared>>
        tpu.wait_indirect_dma semaphore(%arg18 : memref<!tpu.dma_semaphore, #tpu.memory_space<semaphore_mem>>) src(%dma_wait3A_243 : memref<128x64xf32, #tpu.memory_space<vmem>>) dst(%dma_wait3A_249 : memref<10112x64xf32, #tpu.memory_space<vmem_shared>>)
      } else {
      }
      %ge3A_200 = arith.constant 1 : i32
      %ge3A_201 = arith.cmpi sge, %scan3A_132, %ge3A_200 : i32
      %convert_element_type3A_202 = arith.extui %ge3A_201 : i1 to i32
      %cond3A_203 = arith.constant 0 : i32
      %cond3A_204 = arith.cmpi ne, %convert_element_type3A_202, %cond3A_203 : i32
      scf.if %cond3A_204 {
        %dma_wait3A_240 = arith.constant 0 : i32
        %dma_wait3A_241 = tpu.memref_slice %arg11[%select_n3A_165, %dma_wait3A_240] : memref<8x128xi32, #tpu.memory_space<vmem>> -> memref<1x128xi32, #tpu.memory_space<vmem>>
        %dma_wait3A_242 = tpu.memref_squeeze %dma_wait3A_241 : memref<1x128xi32, #tpu.memory_space<vmem>> -> memref<128xi32, #tpu.memory_space<vmem>>
        %dma_wait3A_243 = arith.constant 0 : i32
        %dma_wait3A_244 = arith.constant 0 : i32
        %dma_wait3A_245 = tpu.memref_slice %arg9[%dma_wait3A_243, %dma_wait3A_244] : memref<10112x16xf32, #tpu.memory_space<vmem_shared>> -> memref<10112x16xf32, #tpu.memory_space<vmem_shared>>
        tpu.wait_indirect_dma semaphore(%arg19 : memref<!tpu.dma_semaphore, #tpu.memory_space<semaphore_mem>>) src(%arg15 : memref<128x16xf32, #tpu.memory_space<vmem>>) dst(%dma_wait3A_245 : memref<10112x16xf32, #tpu.memory_space<vmem_shared>>)
      } else {
      }
      %add3A_205 = arith.constant 4 : i32
      %add3A_206 = arith.addi %scan3A_132, %add3A_205 : i32
      %sub3A_207 = arith.constant 1 : i32
      %sub3A_208 = arith.subi %add3A_206, %sub3A_207 : i32
      %lt3A_209 = arith.constant 160 : i32
      %lt3A_210 = arith.cmpi slt, %sub3A_208, %lt3A_209 : i32
      %convert_element_type3A_211 = arith.extui %lt3A_210 : i1 to i32
      %cond3A_212 = arith.constant 0 : i32
      %cond3A_213 = arith.cmpi ne, %convert_element_type3A_211, %cond3A_212 : i32
      scf.if %cond3A_213 {
        %add3A_240 = arith.constant 4 : i32
        %add3A_241 = arith.addi %scan3A_132, %add3A_240 : i32
        %sub3A_242 = arith.constant 1 : i32
        %sub3A_243 = arith.subi %add3A_241, %sub3A_242 : i32
        %dma_start3A_244 = arith.constant 0 : i32
        %dma_start3A_245 = arith.constant 0 : i32
        %dma_start3A_246 = tpu.memref_slice %arg12[%rem3A_173, %dma_start3A_244, %dma_start3A_245] : memref<4x128x64xbf16, #tpu.memory_space<vmem>> -> memref<1x128x64xbf16, #tpu.memory_space<vmem>>
        %dma_start3A_247 = tpu.memref_squeeze %dma_start3A_246 : memref<1x128x64xbf16, #tpu.memory_space<vmem>> -> memref<128x64xbf16, #tpu.memory_space<vmem>>
        %dma_start3A_248 = arith.constant 0 : i32
        %dma_start3A_249 = tpu.memref_slice %arg10[%sub3A_243, %dma_start3A_248] : memref<160x128xi32, #tpu.memory_space<vmem>> -> memref<1x128xi32, #tpu.memory_space<vmem>>
        %dma_start3A_250 = tpu.memref_squeeze %dma_start3A_249 : memref<1x128xi32, #tpu.memory_space<vmem>> -> memref<128xi32, #tpu.memory_space<vmem>>
        %dma_start3A_251 = arith.constant 0 : i32
        %dma_start3A_252 = arith.constant 0 : i32
        %dma_start3A_253 = tpu.memref_slice %arg2[%dma_start3A_251, %dma_start3A_252] : memref<20000x64xbf16, #tpu.memory_space<hbm>> -> memref<20000x64xbf16, #tpu.memory_space<hbm>>
        tpu.enqueue_indirect_dma source(%dma_start3A_253 : memref<20000x64xbf16, #tpu.memory_space<hbm>>) target(%dma_start3A_247 : memref<128x64xbf16, #tpu.memory_space<vmem>>) offsets(%dma_start3A_250 : memref<128xi32, #tpu.memory_space<vmem>>) semaphore(%arg16 : memref<!tpu.dma_semaphore, #tpu.memory_space<semaphore_mem>>)
        %eq3A_254 = arith.constant 0 : i32
        %eq3A_255 = arith.cmpi eq, %arg0, %eq3A_254 : i32
        %convert_element_type3A_256 = arith.extui %eq3A_255 : i1 to i32
        %cond3A_257 = arith.constant 0 : i32
        %cond3A_258 = arith.cmpi ne, %convert_element_type3A_256, %cond3A_257 : i32
        scf.if %cond3A_258 {
          %mul3A_259 = arith.constant 128 : i32
          %mul3A_260 = arith.muli %sub3A_243, %mul3A_259 : i32
          %add3A_261 = arith.addi %mul3A_41, %mul3A_260 : i32
          %min3A = arith.constant 319872 : i32
          %min3A_262 = arith.minsi %add3A_261, %min3A : i32
          %dma_start3A_263 = arith.constant 0 : i32
          %dma_start3A_264 = arith.constant 0 : i32
          %dma_start3A_265 = tpu.memref_slice %arg14[%rem3A_173, %dma_start3A_263, %dma_start3A_264] : memref<4x128x16xf32, #tpu.memory_space<vmem>> -> memref<1x128x16xf32, #tpu.memory_space<vmem>>
          %dma_start3A_266 = tpu.memref_squeeze %dma_start3A_265 : memref<1x128x16xf32, #tpu.memory_space<vmem>> -> memref<128x16xf32, #tpu.memory_space<vmem>>
          %dma_start3A_267 = arith.constant 0 : i32
          %dma_start3A_268 = tpu.memref_slice %arg5[%min3A_262, %dma_start3A_267] : memref<320000x16xf32, #tpu.memory_space<hbm>> -> memref<128x16xf32, #tpu.memory_space<hbm>>
          %dma_start3A_269 = arith.constant 0 : i32
          %dma_start3A_270 = arith.constant 0 : i32
          %dma_start3A_271 = tpu.memref_slice %arg14[%rem3A_173, %dma_start3A_269, %dma_start3A_270] : memref<4x128x16xf32, #tpu.memory_space<vmem>> -> memref<1x128x16xf32, #tpu.memory_space<vmem>>
          %dma_start3A_272 = tpu.memref_squeeze %dma_start3A_271 : memref<1x128x16xf32, #tpu.memory_space<vmem>> -> memref<128x16xf32, #tpu.memory_space<vmem>>
          %dma_start3A_273 = arith.constant 0 : i32
          %dma_start3A_274 = tpu.memref_slice %arg5[%min3A_262, %dma_start3A_273] : memref<320000x16xf32, #tpu.memory_space<hbm>> -> memref<128x16xf32, #tpu.memory_space<hbm>>
          tpu.enqueue_dma source(%dma_start3A_274 : memref<128x16xf32, #tpu.memory_space<hbm>>) target(%dma_start3A_272 : memref<128x16xf32, #tpu.memory_space<vmem>>) target_semaphore(%arg17 : memref<!tpu.dma_semaphore, #tpu.memory_space<semaphore_mem>>)
        } else {
        }
      } else {
      }
      %scan3A_214 = arith.constant 0 : i32
      %scan3A_215 = arith.constant 0 : i32
      %scan3A_216 = arith.constant 128 : i32
      %scan3A_217 = arith.addi %scan3A_215, %scan3A_216 : i32
      %scan3A_218 = arith.constant 1 : i32
      scf.for %scan3A_240 = %scan3A_215 to %scan3A_217 step %scan3A_218  : i32 {
        %get3A = arith.index_cast %rem3A_167 : i32 to index
        %get3A_241 = arith.index_cast %scan3A_240 : i32 to index
        %get3A_242 = arith.constant 0 : index
        %get3A_243 = tpu.vector_load %arg12[%get3A, %get3A_241, %get3A_242] {strides = array<i32>} : memref<4x128x64xbf16, #tpu.memory_space<vmem>>, vector<32xbf16>,
        %unpack3A = tpu.unpack_subelements %get3A_243, 0 {pack_format = #tpu.pack_format<interleaved>} : vector<32xbf16> -> vector<16xf32>
        %unpack3A_244 = tpu.unpack_subelements %get3A_243, 1 {pack_format = #tpu.pack_format<interleaved>} : vector<32xbf16> -> vector<16xf32>
        %swap3A = arith.index_cast %rem3A_175 : i32 to index
        %swap3A_245 = arith.index_cast %scan3A_240 : i32 to index
        %swap3A_246 = arith.constant 0 : index
        %swap3A_247 = tpu.vector_load %arg13[%swap3A, %swap3A_245, %swap3A_246] {strides = array<i32>} : memref<2x128x64xf32, #tpu.memory_space<vmem>>, vector<16xf32>,
        tpu.vector_store %arg13[%swap3A, %swap3A_245, %swap3A_246], %unpack3A {strides = array<i32>} : memref<2x128x64xf32, #tpu.memory_space<vmem>>, vector<16xf32>,
        %swap3A_248 = arith.index_cast %rem3A_175 : i32 to index
        %swap3A_249 = arith.index_cast %scan3A_240 : i32 to index
        %swap3A_250 = arith.constant 16 : index
        %swap3A_251 = tpu.vector_load %arg13[%swap3A_248, %swap3A_249, %swap3A_250] {strides = array<i32>} : memref<2x128x64xf32, #tpu.memory_space<vmem>>, vector<16xf32>,
        tpu.vector_store %arg13[%swap3A_248, %swap3A_249, %swap3A_250], %unpack3A_244 {strides = array<i32>} : memref<2x128x64xf32, #tpu.memory_space<vmem>>, vector<16xf32>,
        %get3A_252 = arith.index_cast %rem3A_167 : i32 to index
        %get3A_253 = arith.index_cast %scan3A_240 : i32 to index
        %get3A_254 = arith.constant 32 : index
        %get3A_255 = tpu.vector_load %arg12[%get3A_252, %get3A_253, %get3A_254] {strides = array<i32>} : memref<4x128x64xbf16, #tpu.memory_space<vmem>>, vector<32xbf16>,
        %unpack3A_256 = tpu.unpack_subelements %get3A_255, 0 {pack_format = #tpu.pack_format<interleaved>} : vector<32xbf16> -> vector<16xf32>
        %unpack3A_257 = tpu.unpack_subelements %get3A_255, 1 {pack_format = #tpu.pack_format<interleaved>} : vector<32xbf16> -> vector<16xf32>
        %swap3A_258 = arith.index_cast %rem3A_175 : i32 to index
        %swap3A_259 = arith.index_cast %scan3A_240 : i32 to index
        %swap3A_260 = arith.constant 32 : index
        %swap3A_261 = tpu.vector_load %arg13[%swap3A_258, %swap3A_259, %swap3A_260] {strides = array<i32>} : memref<2x128x64xf32, #tpu.memory_space<vmem>>, vector<16xf32>,
        tpu.vector_store %arg13[%swap3A_258, %swap3A_259, %swap3A_260], %unpack3A_256 {strides = array<i32>} : memref<2x128x64xf32, #tpu.memory_space<vmem>>, vector<16xf32>,
        %swap3A_262 = arith.index_cast %rem3A_175 : i32 to index
        %swap3A_263 = arith.index_cast %scan3A_240 : i32 to index
        %swap3A_264 = arith.constant 48 : index
        %swap3A_265 = tpu.vector_load %arg13[%swap3A_262, %swap3A_263, %swap3A_264] {strides = array<i32>} : memref<2x128x64xf32, #tpu.memory_space<vmem>>, vector<16xf32>,
        tpu.vector_store %arg13[%swap3A_262, %swap3A_263, %swap3A_264], %unpack3A_257 {strides = array<i32>} : memref<2x128x64xf32, #tpu.memory_space<vmem>>, vector<16xf32>,
      }
      %scan3A_219 = arith.constant 128 : i32
      %dma_start3A_220 = arith.constant 0 : i32
      %dma_start3A_221 = arith.constant 0 : i32
      %dma_start3A_222 = tpu.memref_slice %arg13[%rem3A_175, %dma_start3A_220, %dma_start3A_221] : memref<2x128x64xf32, #tpu.memory_space<vmem>> -> memref<1x128x64xf32, #tpu.memory_space<vmem>>
      %dma_start3A_223 = tpu.memref_squeeze %dma_start3A_222 : memref<1x128x64xf32, #tpu.memory_space<vmem>> -> memref<128x64xf32, #tpu.memory_space<vmem>>
      %dma_start3A_224 = arith.constant 0 : i32
      %dma_start3A_225 = tpu.memref_slice %arg11[%select_n3A_165, %dma_start3A_224] : memref<8x128xi32, #tpu.memory_space<vmem>> -> memref<1x128xi32, #tpu.memory_space<vmem>>
      %dma_start3A_226 = tpu.memref_squeeze %dma_start3A_225 : memref<1x128xi32, #tpu.memory_space<vmem>> -> memref<128xi32, #tpu.memory_space<vmem>>
      %dma_start3A_227 = arith.constant 0 : i32
      %dma_start3A_228 = arith.constant 0 : i32
      %dma_start3A_229 = tpu.memref_slice %arg8[%dma_start3A_227, %dma_start3A_228] : memref<10112x64xf32, #tpu.memory_space<vmem_shared>> -> memref<10112x64xf32, #tpu.memory_space<vmem_shared>>
      tpu.enqueue_indirect_dma source(%dma_start3A_223 : memref<128x64xf32, #tpu.memory_space<vmem>>) target(%dma_start3A_229 : memref<10112x64xf32, #tpu.memory_space<vmem_shared>>) offsets(%dma_start3A_226 : memref<128xi32, #tpu.memory_space<vmem>>) semaphore(%arg18 : memref<!tpu.dma_semaphore, #tpu.memory_space<semaphore_mem>>) {add = true}
      %eq3A_230 = arith.constant 0 : i32
      %eq3A_231 = arith.cmpi eq, %arg0, %eq3A_230 : i32
      %convert_element_type3A_232 = arith.extui %eq3A_231 : i1 to i32
      %cond3A_233 = arith.constant 0 : i32
      %cond3A_234 = arith.cmpi ne, %convert_element_type3A_232, %cond3A_233 : i32
      scf.if %cond3A_234 {
        %dma_start3A_240 = arith.constant 0 : i32
        %dma_start3A_241 = arith.constant 0 : i32
        %dma_start3A_242 = tpu.memref_slice %arg14[%rem3A_167, %dma_start3A_240, %dma_start3A_241] : memref<4x128x16xf32, #tpu.memory_space<vmem>> -> memref<1x128x16xf32, #tpu.memory_space<vmem>>
        %dma_start3A_243 = tpu.memref_squeeze %dma_start3A_242 : memref<1x128x16xf32, #tpu.memory_space<vmem>> -> memref<128x16xf32, #tpu.memory_space<vmem>>
        %dma_start3A_244 = arith.constant 0 : i32
        %dma_start3A_245 = tpu.memref_slice %arg11[%select_n3A_165, %dma_start3A_244] : memref<8x128xi32, #tpu.memory_space<vmem>> -> memref<1x128xi32, #tpu.memory_space<vmem>>
        %dma_start3A_246 = tpu.memref_squeeze %dma_start3A_245 : memref<1x128xi32, #tpu.memory_space<vmem>> -> memref<128xi32, #tpu.memory_space<vmem>>
        %dma_start3A_247 = arith.constant 0 : i32
        %dma_start3A_248 = arith.constant 0 : i32
        %dma_start3A_249 = tpu.memref_slice %arg9[%dma_start3A_247, %dma_start3A_248] : memref<10112x16xf32, #tpu.memory_space<vmem_shared>> -> memref<10112x16xf32, #tpu.memory_space<vmem_shared>>
        tpu.enqueue_indirect_dma source(%dma_start3A_243 : memref<128x16xf32, #tpu.memory_space<vmem>>) target(%dma_start3A_249 : memref<10112x16xf32, #tpu.memory_space<vmem_shared>>) offsets(%dma_start3A_246 : memref<128xi32, #tpu.memory_space<vmem>>) semaphore(%arg19 : memref<!tpu.dma_semaphore, #tpu.memory_space<semaphore_mem>>) {add = true}
      } else {
      }
      %eq3A_235 = arith.constant 1 : i32
      %eq3A_236 = arith.cmpi eq, %arg0, %eq3A_235 : i32
      %convert_element_type3A_237 = arith.extui %eq3A_236 : i1 to i32
      %cond3A_238 = arith.constant 0 : i32
      %cond3A_239 = arith.cmpi ne, %convert_element_type3A_237, %cond3A_238 : i32
      scf.if %cond3A_239 {
        %dma_start3A_240 = arith.constant 0 : i32
        %dma_start3A_241 = tpu.memref_slice %arg11[%select_n3A_165, %dma_start3A_240] : memref<8x128xi32, #tpu.memory_space<vmem>> -> memref<1x128xi32, #tpu.memory_space<vmem>>
        %dma_start3A_242 = tpu.memref_squeeze %dma_start3A_241 : memref<1x128xi32, #tpu.memory_space<vmem>> -> memref<128xi32, #tpu.memory_space<vmem>>
        %dma_start3A_243 = arith.constant 0 : i32
        %dma_start3A_244 = arith.constant 0 : i32
        %dma_start3A_245 = tpu.memref_slice %arg9[%dma_start3A_243, %dma_start3A_244] : memref<10112x16xf32, #tpu.memory_space<vmem_shared>> -> memref<10112x16xf32, #tpu.memory_space<vmem_shared>>
        tpu.enqueue_indirect_dma source(%arg15 : memref<128x16xf32, #tpu.memory_space<vmem>>) target(%dma_start3A_245 : memref<10112x16xf32, #tpu.memory_space<vmem_shared>>) offsets(%dma_start3A_242 : memref<128xi32, #tpu.memory_space<vmem>>) semaphore(%arg19 : memref<!tpu.dma_semaphore, #tpu.memory_space<semaphore_mem>>) {add = true}
      } else {
      }
    }
    %scan3A_95 = arith.constant 160 : i32
    %dma_wait3A = arith.constant 0 : i32
    %dma_wait3A_96 = arith.constant 0 : i32
    %dma_wait3A_97 = arith.constant 0 : i32
    %dma_wait3A_98 = tpu.memref_slice %arg13[%dma_wait3A, %dma_wait3A_96, %dma_wait3A_97] : memref<2x128x64xf32, #tpu.memory_space<vmem>> -> memref<1x128x64xf32, #tpu.memory_space<vmem>>
    %dma_wait3A_99 = tpu.memref_squeeze %dma_wait3A_98 : memref<1x128x64xf32, #tpu.memory_space<vmem>> -> memref<128x64xf32, #tpu.memory_space<vmem>>
    %dma_wait3A_100 = arith.constant 0 : i32
    %dma_wait3A_101 = arith.constant 0 : i32
    %dma_wait3A_102 = tpu.memref_slice %arg8[%dma_wait3A_100, %dma_wait3A_101] : memref<10112x64xf32, #tpu.memory_space<vmem_shared>> -> memref<128x64xf32, #tpu.memory_space<vmem_shared>>
    %dma_wait3A_103 = arith.constant 0 : i32
    %dma_wait3A_104 = arith.constant 0 : i32
    %dma_wait3A_105 = tpu.memref_slice %arg8[%dma_wait3A_103, %dma_wait3A_104] : memref<10112x64xf32, #tpu.memory_space<vmem_shared>> -> memref<128x64xf32, #tpu.memory_space<vmem_shared>>
    %dma_wait3A_106 = arith.constant 0 : i32
    %dma_wait3A_107 = arith.constant 0 : i32
    %dma_wait3A_108 = tpu.memref_slice %arg13[%dma_wait3A, %dma_wait3A_106, %dma_wait3A_107] : memref<2x128x64xf32, #tpu.memory_space<vmem>> -> memref<1x128x64xf32, #tpu.memory_space<vmem>>
    %dma_wait3A_109 = tpu.memref_squeeze %dma_wait3A_108 : memref<1x128x64xf32, #tpu.memory_space<vmem>> -> memref<128x64xf32, #tpu.memory_space<vmem>>
    tpu.wait_dma2 semaphore(%arg18 : memref<!tpu.dma_semaphore, #tpu.memory_space<semaphore_mem>>) src(%dma_wait3A_109 : memref<128x64xf32, #tpu.memory_space<vmem>>) dst(%dma_wait3A_105 : memref<128x64xf32, #tpu.memory_space<vmem_shared>>)
    %dma_wait3A_110 = arith.constant 0 : i32
    %dma_wait3A_111 = arith.constant 0 : i32
    %dma_wait3A_112 = arith.constant 0 : i32
    %dma_wait3A_113 = tpu.memref_slice %arg13[%dma_wait3A_110, %dma_wait3A_111, %dma_wait3A_112] : memref<2x128x64xf32, #tpu.memory_space<vmem>> -> memref<1x128x64xf32, #tpu.memory_space<vmem>>
    %dma_wait3A_114 = tpu.memref_squeeze %dma_wait3A_113 : memref<1x128x64xf32, #tpu.memory_space<vmem>> -> memref<128x64xf32, #tpu.memory_space<vmem>>
    %dma_wait3A_115 = arith.constant 0 : i32
    %dma_wait3A_116 = arith.constant 0 : i32
    %dma_wait3A_117 = tpu.memref_slice %arg8[%dma_wait3A_115, %dma_wait3A_116] : memref<10112x64xf32, #tpu.memory_space<vmem_shared>> -> memref<128x64xf32, #tpu.memory_space<vmem_shared>>
    %dma_wait3A_118 = arith.constant 0 : i32
    %dma_wait3A_119 = arith.constant 0 : i32
    %dma_wait3A_120 = tpu.memref_slice %arg8[%dma_wait3A_118, %dma_wait3A_119] : memref<10112x64xf32, #tpu.memory_space<vmem_shared>> -> memref<128x64xf32, #tpu.memory_space<vmem_shared>>
    %dma_wait3A_121 = arith.constant 0 : i32
    %dma_wait3A_122 = arith.constant 0 : i32
    %dma_wait3A_123 = tpu.memref_slice %arg13[%dma_wait3A_110, %dma_wait3A_121, %dma_wait3A_122] : memref<2x128x64xf32, #tpu.memory_space<vmem>> -> memref<1x128x64xf32, #tpu.memory_space<vmem>>
    %dma_wait3A_124 = tpu.memref_squeeze %dma_wait3A_123 : memref<1x128x64xf32, #tpu.memory_space<vmem>> -> memref<128x64xf32, #tpu.memory_space<vmem>>
    tpu.wait_dma2 semaphore(%arg18 : memref<!tpu.dma_semaphore, #tpu.memory_space<semaphore_mem>>) src(%dma_wait3A_124 : memref<128x64xf32, #tpu.memory_space<vmem>>) dst(%dma_wait3A_120 : memref<128x64xf32, #tpu.memory_space<vmem_shared>>)
    %dma_wait3A_125 = arith.constant 0 : i32
    %dma_wait3A_126 = arith.constant 0 : i32
    %dma_wait3A_127 = tpu.memref_slice %arg9[%dma_wait3A_125, %dma_wait3A_126] : memref<10112x16xf32, #tpu.memory_space<vmem_shared>> -> memref<128x16xf32, #tpu.memory_space<vmem_shared>>
    %dma_wait3A_128 = arith.constant 0 : i32
    %dma_wait3A_129 = arith.constant 0 : i32
    %dma_wait3A_130 = tpu.memref_slice %arg9[%dma_wait3A_128, %dma_wait3A_129] : memref<10112x16xf32, #tpu.memory_space<vmem_shared>> -> memref<128x16xf32, #tpu.memory_space<vmem_shared>>
    tpu.wait_dma2 semaphore(%arg19 : memref<!tpu.dma_semaphore, #tpu.memory_space<semaphore_mem>>) src(%arg15 : memref<128x16xf32, #tpu.memory_space<vmem>>) dst(%dma_wait3A_130 : memref<128x16xf32, #tpu.memory_space<vmem_shared>>)
    %barrier3A_131 = arith.constant 0 : index
    tpu.barrier barrier_id(%barrier3A_131)
    "tpu.region"() ({
      %run_scoped3A_132 = tpu.sem_alloc : memref<!tpu.dma_semaphore, #tpu.memory_space<semaphore_mem>>
      %dma_start3A_133 = arith.constant 0 : i32
      %dma_start3A_134 = tpu.memref_slice %arg6[%arg0, %mul3A_11, %dma_start3A_133] : memref<2x10112x64xf32, #tpu.memory_space<hbm>> -> memref<1x632x64xf32, #tpu.memory_space<hbm>>
      %dma_start3A_135 = tpu.memref_squeeze %dma_start3A_134 : memref<1x632x64xf32, #tpu.memory_space<hbm>> -> memref<632x64xf32, #tpu.memory_space<hbm>>
      %dma_start3A_136 = arith.constant 0 : i32
      %dma_start3A_137 = tpu.memref_slice %arg8[%mul3A_11, %dma_start3A_136] : memref<10112x64xf32, #tpu.memory_space<vmem_shared>> -> memref<632x64xf32, #tpu.memory_space<vmem_shared>>
      tpu.enqueue_dma source(%dma_start3A_137 : memref<632x64xf32, #tpu.memory_space<vmem_shared>>) target(%dma_start3A_135 : memref<632x64xf32, #tpu.memory_space<hbm>>) target_semaphore(%run_scoped3A_132 : memref<!tpu.dma_semaphore, #tpu.memory_space<semaphore_mem>>)
      %dma_wait3A_138 = arith.constant 0 : i32
      %dma_wait3A_139 = tpu.memref_slice %arg6[%arg0, %mul3A_11, %dma_wait3A_138] : memref<2x10112x64xf32, #tpu.memory_space<hbm>> -> memref<1x632x64xf32, #tpu.memory_space<hbm>>
      %dma_wait3A_140 = tpu.memref_squeeze %dma_wait3A_139 : memref<1x632x64xf32, #tpu.memory_space<hbm>> -> memref<632x64xf32, #tpu.memory_space<hbm>>
      %dma_wait3A_141 = arith.constant 0 : i32
      %dma_wait3A_142 = tpu.memref_slice %arg8[%mul3A_11, %dma_wait3A_141] : memref<10112x64xf32, #tpu.memory_space<vmem_shared>> -> memref<632x64xf32, #tpu.memory_space<vmem_shared>>
      tpu.wait_dma2 semaphore(%run_scoped3A_132 : memref<!tpu.dma_semaphore, #tpu.memory_space<semaphore_mem>>) src(%dma_wait3A_142 : memref<632x64xf32, #tpu.memory_space<vmem_shared>>) dst(%dma_wait3A_140 : memref<632x64xf32, #tpu.memory_space<hbm>>)
      tpu.yield
    }) : () -> ()
    "tpu.region"() ({
      %run_scoped3A_132 = tpu.sem_alloc : memref<!tpu.dma_semaphore, #tpu.memory_space<semaphore_mem>>
      %dma_start3A_133 = arith.constant 0 : i32
      %dma_start3A_134 = tpu.memref_slice %arg7[%arg0, %mul3A_11, %dma_start3A_133] : memref<2x10112x16xf32, #tpu.memory_space<hbm>> -> memref<1x632x16xf32, #tpu.memory_space<hbm>>
      %dma_start3A_135 = tpu.memref_squeeze %dma_start3A_134 : memref<1x632x16xf32, #tpu.memory_space<hbm>> -> memref<632x16xf32, #tpu.memory_space<hbm>>
      %dma_start3A_136 = arith.constant 0 : i32
      %dma_start3A_137 = tpu.memref_slice %arg9[%mul3A_11, %dma_start3A_136] : memref<10112x16xf32, #tpu.memory_space<vmem_shared>> -> memref<632x16xf32, #tpu.memory_space<vmem_shared>>
      tpu.enqueue_dma source(%dma_start3A_137 : memref<632x16xf32, #tpu.memory_space<vmem_shared>>) target(%dma_start3A_135 : memref<632x16xf32, #tpu.memory_space<hbm>>) target_semaphore(%run_scoped3A_132 : memref<!tpu.dma_semaphore, #tpu.memory_space<semaphore_mem>>)
      %dma_wait3A_138 = arith.constant 0 : i32
      %dma_wait3A_139 = tpu.memref_slice %arg7[%arg0, %mul3A_11, %dma_wait3A_138] : memref<2x10112x16xf32, #tpu.memory_space<hbm>> -> memref<1x632x16xf32, #tpu.memory_space<hbm>>
      %dma_wait3A_140 = tpu.memref_squeeze %dma_wait3A_139 : memref<1x632x16xf32, #tpu.memory_space<hbm>> -> memref<632x16xf32, #tpu.memory_space<hbm>>
      %dma_wait3A_141 = arith.constant 0 : i32
      %dma_wait3A_142 = tpu.memref_slice %arg9[%mul3A_11, %dma_wait3A_141] : memref<10112x16xf32, #tpu.memory_space<vmem_shared>> -> memref<632x16xf32, #tpu.memory_space<vmem_shared>>
      tpu.wait_dma2 semaphore(%run_scoped3A_132 : memref<!tpu.dma_semaphore, #tpu.memory_space<semaphore_mem>>) src(%dma_wait3A_142 : memref<632x16xf32, #tpu.memory_space<vmem_shared>>) dst(%dma_wait3A_140 : memref<632x16xf32, #tpu.memory_space<hbm>>)
      tpu.yield
    }) : () -> ()
    return
  }
}

module attributes {stable_mosaic.version = 14 : i64} {
  func.func @_tc_body(%arg0: i32, %arg1: memref<2x1000x64xf32, #tpu.memory_space<vmem>>, %arg2: memref<2x1000x16xf32, #tpu.memory_space<vmem>>, %arg3: memref<144x128xf32, #tpu.memory_space<vmem>>, %arg4: memref<1x128xf32, #tpu.memory_space<vmem>>, %arg5: memref<1000x128xf32, #tpu.memory_space<vmem>>) attributes {dimension_semantics = [#tpu.dimension_semantics<arbitrary>], iteration_bounds = array<i64: 10>, scalar_prefetch = 0 : i64, scratch_operands = 0 : i64, tpu.core_type = #tpu.core_type<tc>, window_params = [{transform_indices = @transform_0, window_bounds = array<i64: 2, 1000, 64>}, {transform_indices = @transform_1, window_bounds = array<i64: 2, 1000, 16>}, {pipeline_mode = #tpu.pipeline_mode<synchronous>, transform_indices = @transform_2, window_bounds = array<i64: 144, 128>}, {pipeline_mode = #tpu.pipeline_mode<synchronous>, transform_indices = @transform_3, window_bounds = array<i64: 1, 128>}, {transform_indices = @transform_4, window_bounds = array<i64: 1000, 128>}]} {
    %get3A = arith.constant 0 : index
    %get3A_0 = arith.constant 0 : index
    %get3A_1 = arith.constant 0 : index
    %get3A_2 = vector.load %arg1[%get3A, %get3A_0, %get3A_1] : memref<2x1000x64xf32, #tpu.memory_space<vmem>>, vector<1x1000x64xf32>
    %get3A_3 = vector.shape_cast %get3A_2 : vector<1x1000x64xf32> to vector<1000x64xf32>
    %get3A_4 = arith.constant 1 : index
    %get3A_5 = arith.constant 0 : index
    %get3A_6 = arith.constant 0 : index
    %get3A_7 = vector.load %arg1[%get3A_4, %get3A_5, %get3A_6] : memref<2x1000x64xf32, #tpu.memory_space<vmem>>, vector<1x1000x64xf32>
    %get3A_8 = vector.shape_cast %get3A_7 : vector<1x1000x64xf32> to vector<1000x64xf32>
    %concatenate3A = tpu.concatenate %get3A_3, %get3A_8 in 1 : vector<1000x64xf32>, vector<1000x64xf32> -> vector<1000x128xf32>
    %get3A_9 = arith.constant 0 : index
    %get3A_10 = arith.constant 0 : index
    %get3A_11 = arith.constant 0 : index
    %get3A_12 = vector.load %arg2[%get3A_9, %get3A_10, %get3A_11] : memref<2x1000x16xf32, #tpu.memory_space<vmem>>, vector<1x1000x16xf32>
    %get3A_13 = vector.shape_cast %get3A_12 : vector<1x1000x16xf32> to vector<1000x16xf32>
    %get3A_14 = arith.constant 1 : index
    %get3A_15 = arith.constant 0 : index
    %get3A_16 = arith.constant 0 : index
    %get3A_17 = vector.load %arg2[%get3A_14, %get3A_15, %get3A_16] : memref<2x1000x16xf32, #tpu.memory_space<vmem>>, vector<1x1000x16xf32>
    %get3A_18 = vector.shape_cast %get3A_17 : vector<1x1000x16xf32> to vector<1000x16xf32>
    %slice3A = vector.extract_strided_slice %get3A_18 {offsets = [0, 0], sizes = [1000, 1], strides = [1, 1]} : vector<1000x16xf32> to vector<1000x1xf32>
    %get3A_19 = arith.constant 0 : index
    %get3A_20 = arith.constant 0 : index
    %get3A_21 = vector.load %arg3[%get3A_19, %get3A_20] : memref<144x128xf32, #tpu.memory_space<vmem>>, vector<128x128xf32>
    %dot_general3A = arith.constant dense<0.000000e+00> : vector<1000x128xf32>
    %dot_general3A_22 = tpu.matmul %concatenate3A, %get3A_21, %dot_general3A {dimension_numbers = #tpu.dot_dimension_numbers<[1], [0], [0], [1], [0, 0, 1, 1], [], []>, transpose_lhs_hint = false} : vector<1000x128xf32>, vector<128x128xf32>, vector<1000x128xf32> -> vector<1000x128xf32>
    %get3A_23 = arith.constant 128 : index
    %get3A_24 = arith.constant 0 : index
    %get3A_25 = vector.load %arg3[%get3A_23, %get3A_24] : memref<144x128xf32, #tpu.memory_space<vmem>>, vector<16x128xf32>
    %dot_general3A_26 = arith.constant dense<0.000000e+00> : vector<1000x128xf32>
    %dot_general3A_27 = tpu.matmul %get3A_13, %get3A_25, %dot_general3A_26 {dimension_numbers = #tpu.dot_dimension_numbers<[1], [0], [0], [1], [0, 0, 1, 1], [], []>, transpose_lhs_hint = false} : vector<1000x16xf32>, vector<16x128xf32>, vector<1000x128xf32> -> vector<1000x128xf32>
    %add3A = arith.addf %dot_general3A_22, %dot_general3A_27 : vector<1000x128xf32>
    %get3A_28 = arith.constant 0 : index
    %get3A_29 = arith.constant 0 : index
    %get3A_30 = vector.load %arg4[%get3A_28, %get3A_29] : memref<1x128xf32, #tpu.memory_space<vmem>>, vector<1x128xf32>
    %mul3A = vector.broadcast %slice3A : vector<1000x1xf32> to vector<1000x128xf32>
    %mul3A_31 = vector.broadcast %get3A_30 : vector<1x128xf32> to vector<1000x128xf32>
    %mul3A_32 = arith.mulf %mul3A, %mul3A_31 : vector<1000x128xf32>
    %add3A_33 = arith.addf %add3A, %mul3A_32 : vector<1000x128xf32>
    %max3A = arith.constant 1.000000e+00 : f32
    %max3A_34 = vector.broadcast %max3A : f32 to vector<1000x1xf32>
    %max3A_35 = arith.maximumf %slice3A, %max3A_34 : vector<1000x1xf32>
    %div3A = vector.broadcast %max3A_35 : vector<1000x1xf32> to vector<1000x128xf32>
    %div3A_36 = arith.divf %add3A_33, %div3A : vector<1000x128xf32>
    %swap3A = arith.constant 0 : index
    %swap3A_37 = arith.constant 0 : index
    %swap3A_38 = vector.load %arg5[%swap3A, %swap3A_37] : memref<1000x128xf32, #tpu.memory_space<vmem>>, vector<1000x128xf32>
    tpu.vector_store %arg5[%swap3A, %swap3A_37], %div3A_36 {strides = array<i32>} : memref<1000x128xf32, #tpu.memory_space<vmem>>, vector<1000x128xf32>,
    return
  }
  func.func @transform_0(%arg0: i32) -> (i32, i32, i32) {
    %c0_i32 = arith.constant 0 : i32
    %c0_i32_0 = arith.constant 0 : i32
    %c0_i32_1 = arith.constant 0 : i32
    return %c0_i32, %arg0, %c0_i32_0 : i32, i32, i32
  }
  func.func @transform_1(%arg0: i32) -> (i32, i32, i32) {
    %c0_i32 = arith.constant 0 : i32
    %c0_i32_0 = arith.constant 0 : i32
    %c0_i32_1 = arith.constant 0 : i32
    return %c0_i32, %arg0, %c0_i32_0 : i32, i32, i32
  }
  func.func @transform_2(%arg0: i32) -> (i32, i32) {
    %c0_i32 = arith.constant 0 : i32
    %c0_i32_0 = arith.constant 0 : i32
    %c0_i32_1 = arith.constant 0 : i32
    return %c0_i32, %c0_i32_0 : i32, i32
  }
  func.func @transform_3(%arg0: i32) -> (i32, i32) {
    %c0_i32 = arith.constant 0 : i32
    %c0_i32_0 = arith.constant 0 : i32
    %c0_i32_1 = arith.constant 0 : i32
    return %c0_i32, %c0_i32_0 : i32, i32
  }
  func.func @transform_4(%arg0: i32) -> (i32, i32) {
    %c0_i32 = arith.constant 0 : i32
    %c0_i32_0 = arith.constant 0 : i32
    return %arg0, %c0_i32 : i32, i32
  }
}

</mosaic_0001>

<sc_bundles>
// kernel: kernel.4.cloned.1.call-start
scs
__scs_entry_jumppad:
0x0: {  	(pc) =	sbr.rel $0x88, $3  }
0x1: {  	(tag) =	ssettag $0x0;
	lr =	simm.s32 $0x1  }
0x2: {  	[smem:$0x3F9C] =	sst lr;
	_ =	strace $0xD0000000  }
0x3: {  	_ = 	snop  }
0x4: {  	_ = 	snop  }
0x5: {  	_ = 	snop  }
0x6: {  	_ = 	snop  }
0x7: {  	_ = 	snop  }
__scs_overlays_trampoline_lowered:
0x8: {  	[smem:$0x3FAB] =	sst s0  }
0x9: {  	[smem:$0x3FAC] =	sst s1  }
0xa: {  	[smem:$0x3FAD] =	sst s2  }
0xb: {  	[smem:$0x3FAE] =	sst s3  }
0xc: {  	[smem:$0x3FAF] =	sst s4  }
0xd: {  	[smem:$0x3FB0] =	sst s5  }
0xe: {  	[smem:$0x3FB1] =	sst s6  }
0xf: {  	[smem:$0x3FB2] =	sst s7  }
0x10: {  	[smem:$0x3FB3] =	sst s8  }
0x11: {  	[smem:$0x3FB4] =	sst s9;
	s0 =	simm.s32 @!p0 $0x0  }
0x12: {  	s1 =	sld [smem:$0x3F9A];
	s0 =	simm.s32 @p0 $0x1  }
0x13: {  	[smem:$0x3FB5] =	sst s0;
	s0 =	simm.s32 @!p1 $0x0  }
0x14: {  	s2 =	sld [smem:$0x3F99];
	s0 =	simm.s32 @p1 $0x1  }
0x15: {  	[smem:$0x3FB6] =	sst s0;
	s0 =	simm.s32 @!p2 $0x0  }
0x16: {  	s3 =	sld [smem:$0x3FDB];
	s0 =	simm.s32 @p2 $0x1  }
0x17: {  	s4 =	simm.s32 $0x1BF5;
	[smem:$0x3FB8] =	sst s0  }
0x18: {  	s0 =	sld [smem:$0x3F9B];
	_ =	swait.ge [sflag:s4], $0x0  }
0x19: {  	s7 =	sld [smem:$0x3F9C]  }
0x1a: {  	s8 =	sadd.s32 $0xFFFFE003, lr  }
0x1b: {  	s9 =	sadd.s32 $0xFFFFFEF7, lr;
	s5 =	simm.s32 $0xFFFFFFFF;
	p2 =	slt.u32 s8, $0xFFFFF086  }
0x1c: {  	p1 =	slt.u32 s9, $0xF7A;
	s5 =	simm.s32 @!p2 $0x0  }
0x1d: {  	s5 =	simm.s32 @p1 $0x1;
	p0 =	seq.s32 s7, s2  }
0x1e: {  	s7 =	smul.u32 @!p0 $0xF7A, s2;
	p2 =	seq.s32 @!p0 s5, $0x0  }
0x1f: {  	s9 =	smul.u32 $0xF7A, s1;
	s8 =	simm.s32 @!p0 $0x1BF5;
	p2 =	por !p2, p0  }
0x20: {  	[sflag:s8] =	ssyncset.s32 @!p0 $0xFFFFF086;
	s6 =	sadd.s32 @!p0 s3, s7;
	s7 =	simm.s32 @!p0 $0x108  }
0x21: {  	s3 =	sadd.s32 s3, s9;
	s6 =	sadd.s32 @!p0 $0x88, s6;
	s7 =	simm.s32 @p2 $0x1082  }
0x22: {  	[simem:s7], [sflag:s8] =	dma.local @!p0 [hbm:s6], $0xF7A  }
0x23: {  	s9 =	sor.u32 $0xD0000000, s2;
	s6 =	simm.s32 $0x108;
	_ =	swait.ge @!p0 [sflag:s8], $0x0  }
0x24: {  	s3 =	sadd.s32 $0x88, s3;
	s6 =	simm.s32 @!p1 $0x1082;
	[sflag:s4] =	ssyncset.s32 $0xFFFFF086  }
0x25: {  	[simem:s6], [sflag:s4] =	dma.local [hbm:s3], $0xF7A  }
0x26: {  	[smem:$0x3F9C] =	sst s1;
	(tag) =	ssettag s2;
	_ =	strace s9  }
0x27: {  	s1 =	sld [smem:$0x3FAC]  }
0x28: {  	s2 =	sld [smem:$0x3FAD]  }
0x29: {  	s4 =	sld [smem:$0x3FAF]  }
0x2a: {  	p0 =	seq.s32 s5, $0x0;
	s5 =	sld [smem:$0x3FB0]  }
0x2b: {  	s6 =	sld [smem:$0x3FB1]  }
0x2c: {  	s7 =	sld [smem:$0x3FB2]  }
0x2d: {  	s3 =	simm.s32 $0x108;
	s8 =	sld [smem:$0x3FB3]  }
0x2e: {  	s3 =	simm.s32 @!p0 $0x1082;
	s9 =	sld [smem:$0x3FB4]  }
0x2f: {  	lr =	sadd.s32 s0, s3;
	s0 =	sld [smem:$0x3FAB]  }
0x30: {  	s3 =	sld [smem:$0x3FAE]  }
0x31: {  	[smem:$0x3FB7] =	sst s10  }
0x32: {  	s10 =	sld [smem:$0x3FB5];
	_ =	sdelay $0x3  }
0x33: {  	p0 =	seq.s32 s10, $0x1;
	s10 =	sld [smem:$0x3FB7];
	_ =	sdelay $0x3  }
0x34: {  	[smem:$0x3FB7] =	sst s10  }
0x35: {  	s10 =	sld [smem:$0x3FB6];
	_ =	sdelay $0x3  }
0x36: {  	p1 =	seq.s32 s10, $0x1;
	s10 =	sld [smem:$0x3FB7];
	_ =	sdelay $0x3  }
0x37: {  	[smem:$0x3FB7] =	sst s10  }
0x38: {  	s10 =	sld [smem:$0x3FB8]  }
0x39: {  	_ = 	snop;
	(pc) =	sbr.ind lr, $3  }
0x3a: {  	_ = 	snop  }
0x3b: {  	_ = 	snop  }
0x3c: {  	p2 =	seq.s32 s10, $0x1;
	s10 =	sld [smem:$0x3FB7]  }
0x3d: {  	_ =	shalt  }
0x3e: {  	_ =	shalt  }
0x3f: {  	_ =	shalt  }
0x40: {  	_ =	shalt  }
0x41: {  	_ =	shalt  }
0x42: {  	_ =	shalt  }
0x43: {  	_ =	shalt  }
0x44: {  	_ =	shalt  }
0x45: {  	_ =	shalt  }
0x46: {  	_ =	shalt  }
0x47: {  	_ =	shalt  }
0x48: {  	_ =	shalt  }
0x49: {  	_ =	shalt  }
0x4a: {  	_ =	shalt  }
0x4b: {  	_ =	shalt  }
0x4c: {  	_ =	shalt  }
0x4d: {  	_ =	shalt  }
0x4e: {  	_ =	shalt  }
0x4f: {  	_ =	shalt  }
0x50: {  	_ =	shalt  }
0x51: {  	_ =	shalt  }
0x52: {  	_ =	shalt  }
0x53: {  	_ =	shalt  }
0x54: {  	_ =	shalt  }
0x55: {  	_ =	shalt  }
0x56: {  	_ =	shalt  }
0x57: {  	_ =	shalt  }
0x58: {  	_ =	shalt  }
0x59: {  	_ =	shalt  }
0x5a: {  	_ =	shalt  }
0x5b: {  	_ =	shalt  }
0x5c: {  	_ =	shalt  }
0x5d: {  	_ =	shalt  }
0x5e: {  	_ =	shalt  }
0x5f: {  	_ =	shalt  }
0x60: {  	_ =	shalt  }
0x61: {  	_ =	shalt  }
0x62: {  	_ =	shalt  }
0x63: {  	_ =	shalt  }
0x64: {  	_ =	shalt  }
0x65: {  	_ =	shalt  }
0x66: {  	_ =	shalt  }
0x67: {  	_ =	shalt  }
0x68: {  	_ =	shalt  }
0x69: {  	_ =	shalt  }
0x6a: {  	_ =	shalt  }
0x6b: {  	_ =	shalt  }
0x6c: {  	_ =	shalt  }
0x6d: {  	_ =	shalt  }
0x6e: {  	_ =	shalt  }
0x6f: {  	_ =	shalt  }
0x70: {  	_ =	shalt  }
0x71: {  	_ =	shalt  }
0x72: {  	_ =	shalt  }
0x73: {  	_ =	shalt  }
0x74: {  	_ =	shalt  }
0x75: {  	_ =	shalt  }
0x76: {  	_ =	shalt  }
0x77: {  	_ =	shalt  }
0x78: {  	_ =	shalt  }
0x79: {  	_ =	shalt  }
0x7a: {  	_ =	shalt  }
0x7b: {  	_ =	shalt  }
0x7c: {  	_ =	shalt  }
0x7d: {  	_ =	shalt  }
0x7e: {  	_ =	shalt  }
0x7f: {  	_ =	shalt  }
0x80: {  	_ =	shalt  }
0x81: {  	_ =	shalt  }
0x82: {  	_ =	shalt  }
0x83: {  	_ =	shalt  }
0x84: {  	_ =	shalt  }
0x85: {  	_ =	shalt  }
0x86: {  	_ =	shalt  }
0x87: {  	_ =	shalt  }
.Lfunc_end0:
.L_simem_size_0:
called_computation_lowered:
.L_overlay_start_0:
0x88: {  	s2 =	sld [smem:$0x3FD9]  }
0x89: {  	s3 =	sld [smem:$0x3FFE];
	_ =	sdelay $0x1  }
0x8a: {  	s1 =	srdreg.scid  }
0x8b: {  	s0 =	sand.u32 $0x1, s1  }
0x8c: {  	s17 =	sshll.u32 s0, $0xA;
	s2 =	sadd.s32 s3, s2  }
0x8d: {  	s2 =	sadd.s32 s2, s17  }
0x8e: {  	[smem:$0x3FC3] =	sst s2  }
0x8f: {  	_ = 	snop  }
0x90: {  	s2 =	sld [smem:$0x3FD0];
	(tm) =	ssettm $0x1  }
0x91: {  	s18 =	sld [smem:$0x3FFB];
	_ =	sdelay $0x3  }
0x92: {  	_ =	strace s18  }
0x93: {  	s3 =	sld [smem:$0x3FFC];
	_ =	sdelay $0x3  }
0x94: {  	_ =	strace s3  }
0x95: {  	s3 =	sld [smem:$0x3FFD];
	_ =	sdelay $0x3  }
0x96: {  	_ =	strace s3  }
0x97: {  	_ =	strace $0x8FFFFFFF  }
0x98: {  	s19 =	sld [smem:$0x3FDB];
	_ =	sdelay $0x1  }
0x99: {  	s4 =	simm.s32 $_scs_section_size  }
0x9a: {  	s5 =	simm.s32 $_size__tile_overlayer_lowered;
	s6 =	simm.s32 $_tile_overlayer_lowered  }
0x9b: {  	s22 =	simm.s32 $0x1BFF;
	s21 =	sshll.u32 s6, $0x1;
	s3 =	sadd.s32 s4, s19  }
0x9c: {  	s7 =	simm.s32 $0x0;
	s20 =	sshll.u32 s5, $0x1;
	s5 =	sadd.s32 s21, s3  }
0x9d: {  	[timem:s7], [sflag:s22] =	dma.local [hbm:s5], s20  }
0x9e: {  	_ =	swait.ge [sflag:s22], s20  }
0x9f: {  	s4 =	ssub.s32 $0x0, s20;
	[sflag:s22] =	ssyncset.done $0x0  }
0xa0: {  	[sflag:s22] =	ssyncadd.s32 s4;
	_ =	sdelay $0x1  }
0xa1: {  	s23 =	simm.s32 $0x1B8B  }
0xa2: {  	_ =	swait.ge [sflag:s23], $0x1  }
0xa3: {  	[sflag:s23] =	ssyncset.done $0x0  }
0xa4: {  	s25 =	simm.s32 $0x1B8E;
	s24 =	sld [smem:$0x3FFE];
	[sflag:s23] =	ssyncadd.s32 $0xFFFFFFFF  }
0xa5: {  	s26 =	simm.s32 $execute0_lowered;
	[smem:$0x3FD2] =	sst s25  }
0xa6: {  	s5 =	sshll.u32 s26, $0x1;
	_ =	strace $0x80000046;
	[dreg:$0x1] =	wrdreg $0xFFFFFFFF  }
0xa7: {  	s28 =	simm.s32 $_size_execute0_lowered;
	s3 =	sadd.s32 s3, s5;
	[dreg:$0x0] =	wrdreg $0x0  }
0xa8: {  	s5 =	sshll.u32 s28, $0x1;
	[dreg:$0x2] =	wrdreg s3  }
0xa9: {  	[dreg:$0x3] =	wrdreg s5  }
0xaa: {  	[dreg:$0x4] =	wrdreg $0xC0  }
0xab: {  	_ =	task [dreg:s7], $0x5FFFF  }
0xac: {  	[dreg:$0x1] =	wrdreg $0xFFFFFFFF  }
0xad: {  	[dreg:$0x0] =	wrdreg $0x60  }
0xae: {  	[dreg:$0x2] =	wrdreg s24  }
0xaf: {  	[dreg:$0x3] =	wrdreg s2  }
0xb0: {  	[dreg:$0x4] =	wrdreg $0x0  }
0xb1: {  	[dreg:$0x5] =	wrdreg $0x9E000  }
0xb2: {  	[dreg:$0x6] =	wrdreg $0x9  }
0xb3: {  	_ =	task.clear_ibuf [dreg:s7], $0x7FFFF;
	_ =	strace $0x90000046  }
0xb4: {  	s29 =	simm.s32 $0x9;
	_ =	strace $0x80000048  }
0xb5: {  	_ =	swait.ge [sflag:s29], $0x1  }
0xb6: {  	[sflag:s29] =	ssyncadd.s32 $0xFFFFFFFF  }
0xb7: {  	_ =	strace $0x90000048  }
0xb8: {  	_ =	sfence  }
0xb9: {  	s30 =	sld [smem:$0x0];
	_ =	sdelay $0x2  }
0xba: {  	s31 =	sshll.u32 s1, $0xD;
	s1 =	sshrl.u32 s1, $0x2  }
0xbb: {  	s3 =	sand.u32 $0x4000, s31;
	s1 =	sadd.s32 s1, s30  }
0xbc: {  	s0 =	sor.u32 s3, s0;
	s1 =	sshll.u32 s1, $0x11  }
0xbd: {  	s0 =	sor.u32 s1, s0  }
0xbe: {  	s0 =	sadd.s32 $0x8F2B, s0  }
0xbf: {  	[sflag:s0] =	ssyncadd.remote.s32 $0x1  }
0xc0: {  	_ =	sfence.sel $0xFFFF  }
0xc1: {  	[dreg:$0x0] =	wrdreg $0xFFFFFFFF;
	(pc) =	sbr.abs _section_cstart, $3  }
0xc2: {  	[dreg:$0x1] =	wrdreg $0xFFFFFFFF  }
0xc3: {  	_ =	task.clear_ibuf [dreg:s7], $0x2FFFF;
	_ =	strace $0x9FFFFFFF  }
0xc4: {  	(tm) =	ssettm $0x7FFFFFFF  }
0xc5: {  	_ =	shalt  }
tec
execute0_lowered:
.L_overlay_start_1:
0x0: {  	(tag) =	ssettag $0x1  }
0x1: {  	s0 =	rddreg [dreg:$0x0]  }
0x2: {  	s1 =	rddreg [dreg:$0x1]  }
0x3: {  	s2 =	rddreg [dreg:$0x2]  }
0x4: {  	s3 =	rddreg [dreg:$0x3];
	s17 =	stileid.u32  }
0x5: {  	s4 =	srdreg.scid;
	s8 =	smul.u32 $0x9E00, s17  }
0x6: {  	s5 =	simm.s32 $0x0;
	s28 =	simm.s32 $0x5;
	s9 =	smul.u32 $0x2780, s17  }
0x7: {  	s29 =	simm.s32 $0x19980;
	s30 =	simm.s32 $0xC580;
	s13 =	smul.u32 $0x278, s17  }
0x8: {  	s31 =	simm.s32 $0x80;
	s4 =	sand.u32 $0x1, s4;
	s22 =	smul.u32 $0xA000, s17  }
0x9: {  	[smem:$0x7FF] =	sst s5;
	s7 =	sadd.s32 $0x4E3800, s0;
	s6 =	smul.u32 $0x9E000, s4  }
0xa: {  	s5 =	sadd.s32 $0x1800, s0;
	_ =	strace $0x80000047;
	s11 =	smul.u32 $0x27800, s4  }
0xb: {  	s12 =	ssub.s32 $0x2, s4;
	s20 =	smul.u32 $0x50000, s4;
	p0 =	seq.s32 s4, $0x0  }
0xc: {  	p1 =	sne.s32 s4, $0x0;
	s4 =	simm.s32 $0x1;
	s14 =	sshrl.u32 s12, $0x1  }
0xd: {  	s23 =	sadd.s32 $0x80, s13;
	s25 =	sadd.s32 $0x100, s13;
	s16 =	sadd.s32 $0x180, s13  }
0xe: {  	s13 =	sadd.s32 $0x200, s13;
	s10 =	sadd.s32 s8, s6;
	s6 =	sadd.s32 $0x15200, s0  }
0xf: {  	s11 =	sadd.s32 s9, s11;
	s8 =	sadd.s32 s8, s2;
	s9 =	sadd.s32 s9, s3  }
0x10: {  	s24 =	sshll.u32 s23, $0x6;
	s26 =	sshll.u32 s25, $0x6;
	s15 =	sshll.u32 s16, $0x6  }
0x11: {  	s19 =	sshll.u32 s16, $0x4;
	s21 =	sshll.u32 s13, $0x6;
	s10 =	sshrl.u32 s10, $0x3  }
0x12: {  	s11 =	sshrl.u32 s11, $0x3;
	s18 =	sadd.s32 s15, s2;
	s15 =	smul.u32 $0x5000, s17  }
0x13: {  	s10 =	sadd.s32 s10, s0;
	s0 =	sadd.s32 s11, s0;
	s11 =	ssub.s32 s12, s14  }
0x14: {  	s14 =	sadd.s32 s24, s2;
	s12 =	sshll.u32 s23, $0x4;
	[dreg:$0x9] =	wrdreg s18  }
0x15: {  	s23 =	sshll.u32 s13, $0x4;
	[dreg:$0x5] =	wrdreg s14;
	s12 =	sadd.s32 s12, s3  }
0x16: {  	s14 =	sshll.u32 s25, $0x4;
	s24 =	sadd.s32 s15, s20;
	[dreg:$0x6] =	wrdreg s12  }
0x17: {  	s12 =	sadd.s32 s26, s2;
	s25 =	sshrl.u32 s24, $0x3;
	s24 =	sadd.s32 $0x1F200, s0  }
0x18: {  	s0 =	simm.s32 $0x4;
	[dreg:$0x7] =	wrdreg s12;
	s12 =	sadd.s32 s14, s3  }
0x19: {  	s1 =	sadd.s32 s1, s25;
	s25 =	smax.u32 s11, $0x1;
	[dreg:$0x8] =	wrdreg s12  }
0x1a: {  	s12 =	sadd.s32 s19, s3;
	s19 =	sadd.s32 s7, s22;
	[dreg:$0xd] =	wrdreg s1  }
0x1b: {  	s1 =	simm.s32 $0x3;
	[dreg:$0xa] =	wrdreg s12;
	s12 =	sadd.s32 s21, s2  }
0x1c: {  	s26 =	sadd.s32 $0x100, s19;
	s22 =	sadd.s32 $0x200, s19;
	[dreg:$0xb] =	wrdreg s12  }
0x1d: {  	v0 =	vimm.f32 $0.0e+00;
	vm0 =	vcmask $0x300;
	s12 =	sadd.s32 s23, s3;
	[dreg:$0xe] =	wrdreg s26;
	s23 =	sadd.s32 $0x29000, s10  }
0x1e: {  	v1 =	vsel vm0, $0x3F800000, v0;
	s26 =	simm.s32 $0x15980;
	s10 =	simm.s32 $0x0;
	[dreg:$0xc] =	wrdreg s12  }
.LBB2_1:
0x1f: {  	s11 =	simm.s32 $0x159A0  }
0x20: {  	[tilespmem:s11+$0xFFFFFFE0] =	vst v0  }
0x21: {  	[tilespmem:s11+$0x10] =	vst v0  }
0x22: {  	[tilespmem:s11+$0x0] =	vst v0  }
0x23: {  	s12 =	simm.s32 $0x40;
	s13 =	simm.s32 $0x0;
	[tilespmem:s11+$0xFFFFFFF0] =	vst v0  }
.LBB2_2:
0x24: {  	p2 =	sne.s32 s12, $0x1FC0  }
0x25: {  	[tilespmem:s13+$0x19980] =	vst v0;
	s11 =	sadd.s32 $0x40, s11;
	s14 =	smov.u32 s12;
	s12 =	sadd.s32 $0x40, s12  }
.Ltmp0:
0x26: {  	[tilespmem:s13+$0x1B980] =	vst v1;
	(pc) =	sbr.rel @p2 .LBB2_2-.Ltmp0, $4  }
0x27: {  	[tilespmem:s11+$0xFFFFFFE0] =	vst v0  }
0x28: {  	[tilespmem:s11+$0x10] =	vst v0  }
0x29: {  	[tilespmem:s11+$0x0] =	vst v0  }
0x2a: {  	s13 =	sshra.s32 s14, $0x2;
	[tilespmem:s11+$0xFFFFFFF0] =	vst v0  }
0x2b: {  	[tilespmem:s13+$0x19980] =	vst v0  }
0x2c: {  	[tilespmem:s13+$0x1B980] =	vst v1  }
0x2d: {  	[spmem:s8] =	stream.linear.scatter [tilespmem:s26], [sflag:$0x5], $0x2000, $0x38;
	[tilespmem:$0x1C180] =	vst v63  }
0x2e: {  	_ =	swait.ge [sflag:s28], $0x2000  }
0x2f: {  	[sflag:s28] =	ssyncset.done $0x0  }
0x30: {  	[sflag:s28] =	ssyncadd.s32 $0xFFFFE000  }
0x31: {  	[spmem:s9] =	stream.linear.scatter [tilespmem:s29], [sflag:$0x5], $0x800, $0x38;
	[tilespmem:$0x1C180] =	vst v63  }
0x32: {  	_ =	swait.ge [sflag:s28], $0x800  }
0x33: {  	[sflag:s28] =	ssyncset.done $0x0  }
0x34: {  	s11 =	rddreg [dreg:$0x5];
	[sflag:s28] =	ssyncadd.s32 $0xFFFFF800  }
0x35: {  	[spmem:s11] =	stream.linear.scatter [tilespmem:s26], [sflag:$0x5], $0x2000, $0x38;
	[tilespmem:$0x1C180] =	vst v63  }
0x36: {  	_ =	swait.ge [sflag:s28], $0x2000  }
0x37: {  	[sflag:s28] =	ssyncset.done $0x0  }
0x38: {  	s21 =	rddreg [dreg:$0x6];
	[sflag:s28] =	ssyncadd.s32 $0xFFFFE000  }
0x39: {  	[spmem:s21] =	stream.linear.scatter [tilespmem:s29], [sflag:$0x5], $0x800, $0x38;
	[tilespmem:$0x1C180] =	vst v63  }
0x3a: {  	_ =	swait.ge [sflag:s28], $0x800  }
0x3b: {  	[sflag:s28] =	ssyncset.done $0x0  }
0x3c: {  	s12 =	rddreg [dreg:$0x7];
	[sflag:s28] =	ssyncadd.s32 $0xFFFFF800  }
0x3d: {  	[spmem:s12] =	stream.linear.scatter [tilespmem:s26], [sflag:$0x5], $0x2000, $0x38;
	[tilespmem:$0x1C180] =	vst v63  }
0x3e: {  	_ =	swait.ge [sflag:s28], $0x2000  }
0x3f: {  	[sflag:s28] =	ssyncset.done $0x0  }
0x40: {  	s13 =	rddreg [dreg:$0x8];
	[sflag:s28] =	ssyncadd.s32 $0xFFFFE000  }
0x41: {  	[spmem:s13] =	stream.linear.scatter [tilespmem:s29], [sflag:$0x5], $0x800, $0x38;
	[tilespmem:$0x1C180] =	vst v63  }
0x42: {  	_ =	swait.ge [sflag:s28], $0x800  }
0x43: {  	[sflag:s28] =	ssyncset.done $0x0  }
0x44: {  	s14 =	rddreg [dreg:$0x9];
	[sflag:s28] =	ssyncadd.s32 $0xFFFFF800  }
0x45: {  	[spmem:s14] =	stream.linear.scatter [tilespmem:s26], [sflag:$0x5], $0x2000, $0x38;
	[tilespmem:$0x1C180] =	vst v63  }
0x46: {  	_ =	swait.ge [sflag:s28], $0x2000  }
0x47: {  	[sflag:s28] =	ssyncset.done $0x0  }
0x48: {  	s16 =	rddreg [dreg:$0xa];
	[sflag:s28] =	ssyncadd.s32 $0xFFFFE000  }
0x49: {  	[spmem:s16] =	stream.linear.scatter [tilespmem:s29], [sflag:$0x5], $0x800, $0x38;
	[tilespmem:$0x1C180] =	vst v63  }
0x4a: {  	_ =	swait.ge [sflag:s28], $0x800  }
0x4b: {  	[sflag:s28] =	ssyncset.done $0x0  }
0x4c: {  	s17 =	rddreg [dreg:$0xb];
	[sflag:s28] =	ssyncadd.s32 $0xFFFFF800  }
0x4d: {  	[spmem:s17] =	stream.linear.scatter [tilespmem:s26], [sflag:$0x5], $0x1E00, $0x38;
	[tilespmem:$0x1C180] =	vst v63  }
0x4e: {  	_ =	swait.ge [sflag:s28], $0x1E00  }
0x4f: {  	[sflag:s28] =	ssyncset.done $0x0  }
0x50: {  	s18 =	rddreg [dreg:$0xc];
	[sflag:s28] =	ssyncadd.s32 $0xFFFFE200  }
0x51: {  	[spmem:s18] =	stream.linear.scatter [tilespmem:s29], [sflag:$0x5], $0x780, $0x38;
	[tilespmem:$0x1C180] =	vst v63  }
0x52: {  	_ =	swait.ge [sflag:s28], $0x780  }
0x53: {  	[sflag:s28] =	ssyncset.done $0x0  }
0x54: {  	s20 =	simm.s32 $0x0;
	s12 =	rddreg [dreg:$0xd];
	[sflag:s28] =	ssyncadd.s32 $0xFFFFF880  }
0x55: {  	[tilespmem:s30], [sflag:$0x5] =	stream.linear.gather [hbm4b:s12+s20], $0x5000, $0x38;
	[tilespmem:$0x1C180] =	vst v63  }
0x56: {  	_ =	swait.ge [sflag:s28], $0x5000  }
0x57: {  	[sflag:s28] =	ssyncset.done $0x0  }
0x58: {  	[sflag:s28] =	ssyncadd.s32 $0xFFFFB000  }
0x59: {  	s21 =	simm.s32 $0x11980;
	[bflag:$0x0] =	sbarrier.arrive $0xFFFF  }
0x5a: {  	[tilespmem:s21], [sflag:$0x1] =	stream.indirect.gather [hbm4b:s5+s31], $0x20, s30, s31, $0xb8;
	[tilespmem:$0x1C180] =	vst v63  }
0x5b: {  	s11 =	simm.s32 @p0 $0x0;
	s12 =	simm.s32 @p0 $0x19980  }
0x5c: {  	[tilespmem:s12], [sflag:$0x2] =	stream.linear.gather @p0 [hbm4b:s19+s11], $0x800, $0x38;
	[tilespmem:$0x1C180] =	vst v63  }
0x5d: {  	s13 =	simm.s32 @p0 $0xC600;
	s14 =	simm.s32 @p0 $0x12980;
	s12 =	simm.s32 @p0 $0x80  }
0x5e: {  	[tilespmem:s14], [sflag:$0x1] =	stream.indirect.gather @p0 [hbm4b:s5+s12], $0x20, s13, s12, $0xb8;
	[tilespmem:$0x1C180] =	vst v63  }
0x5f: {  	s13 =	simm.s32 @p0 $0x1A180;
	s14 =	rddreg [dreg:$0xe]  }
0x60: {  	[tilespmem:s13], [sflag:$0x2] =	stream.linear.gather @p0 [hbm4b:s14+s11], $0x800, $0x38;
	[tilespmem:$0x1C180] =	vst v63  }
0x61: {  	s13 =	simm.s32 @p0 $0xC680;
	s14 =	simm.s32 @p0 $0x13980  }
0x62: {  	[tilespmem:s14], [sflag:$0x1] =	stream.indirect.gather @p0 [hbm4b:s5+s12], $0x20, s13, s12, $0xb8;
	[tilespmem:$0x1C180] =	vst v63  }
0x63: {  	s12 =	simm.s32 @p0 $0x1A980  }
0x64: {  	[tilespmem:s12], [sflag:$0x2] =	stream.linear.gather @p0 [hbm4b:s22+s11], $0x800, $0x38;
	[tilespmem:$0x1C180] =	vst v63  }
0x65: {  	s13 =	simm.s32 @!p0 $0x12980;
	s11 =	simm.s32 @!p0 $0x80;
	s12 =	simm.s32 @!p0 $0xC600  }
0x66: {  	[tilespmem:s13], [sflag:$0x1] =	stream.indirect.gather @!p0 [hbm4b:s5+s11], $0x20, s12, s11, $0xb8;
	[tilespmem:$0x1C180] =	vst v63  }
0x67: {  	s12 =	simm.s32 @!p0 $0xC680;
	s13 =	simm.s32 @!p0 $0x13980  }
0x68: {  	[tilespmem:s13], [sflag:$0x1] =	stream.indirect.gather @!p0 [hbm4b:s5+s11], $0x20, s12, s11, $0xb8;
	[tilespmem:$0x1C180] =	vst v63  }
0x69: {  	p2 =	por $0x0, $0x0;
	s11 =	simm.s32 $0x0;
	s12 =	simm.s32 $0x0  }
.LBB2_4:
0x6a: {  	s13 =	sand.u32 $0x7, s12  }
0x6b: {  	p3 =	sne.s32 s13, $0x0  }
0x6c: {  	s14 =	sshll.u32 @!p3 s12, $0x7  }
0x6d: {  	s14 =	sadd.s32 @!p3 s15, s14  }
0x6e: {  	s14 =	sshrl.u32 @!p3 s14, $0x3  }
0x6f: {  	s16 =	simm.s32 @!p3 $0x0;
	s17 =	simm.s32 @!p3 $0x11580;
	s14 =	sadd.s32 @!p3 s6, s14  }
0x70: {  	[tilespmem:s17], [sflag:$0x5] =	stream.linear.gather @!p3 [hbm4b:s14+s16], $0x400, $0x38;
	[tilespmem:$0x1C180] =	vst v63  }
0x71: {  	s14 =	simm.s32 @!p3 $0x5  }
0x72: {  	_ =	swait.ge @!p3 [sflag:s14], $0x400  }
0x73: {  	[sflag:s14] =	ssyncset.done @!p3 $0x0  }
0x74: {  	[sflag:s14] =	ssyncadd.s32 @!p3 $0xFFFFFC00  }
0x75: {  	p3 =	slt.u32 s12, $0x2;
	_ =	swait.ge [sflag:s4], $0x1000  }
.Ltmp1:
0x76: {  	[sflag:s4] =	ssyncset.done $0x0;
	(pc) =	sbr.rel @p3 .LBB2_6-.Ltmp1, $4  }
0x77: {  	s14 =	simm.s32 @!p1 $0x2;
	[sflag:s4] =	ssyncadd.s32 $0xFFFFF000  }
0x78: {  	_ =	swait.ge @!p1 [sflag:s14], $0x800  }
0x79: {  	[sflag:s14] =	ssyncset.done @!p1 $0x0  }
0x7a: {  	[sflag:s14] =	ssyncadd.s32 @!p1 $0xFFFFF800  }
.Ltmp2:
0x7b: {  	(pc) =	sbr.rel .LBB2_7-.Ltmp2, $4  }
0x7c: {  	_ = 	snop  }
0x7d: {  	_ =	swait.ge [sflag:s1], $0x2000  }
0x7e: {  	[sflag:s1] =	ssyncset.done $0x0  }
0x7f: {  	[sflag:s1] =	ssyncadd.s32 $0xFFFFE000  }
.LBB2_6:
0x80: {  	p3 =	seq.s32 s12, $0x0  }
.Ltmp3:
0x81: {  	_ = 	snop;
	(pc) =	sbr.rel @p3 .LBB2_8-.Ltmp3, $1  }
0x82: {  	_ =	sdelay $0x3  }
.LBB2_7:
0x83: {  	p3 =	sgt.u32 s12, $0x9C  }
.Ltmp4:
0x84: {  	_ = 	snop;
	(pc) =	sbr.rel @p3 .LBB2_9-.Ltmp4, $4  }
0x85: {  	_ = 	snop  }
0x86: {  	_ =	swait.ge [sflag:s0], $0x800  }
0x87: {  	[sflag:s0] =	ssyncset.done $0x0  }
0x88: {  	[sflag:s0] =	ssyncadd.s32 $0xFFFFF800  }
.LBB2_8:
0x89: {  	s14 =	sadd.s32 $0x3, s12  }
0x8a: {  	s16 =	sand.u32 $0x3, s14;
	s14 =	sshll.u32 s14, $0x7  }
0x8b: {  	s17 =	sshll.u32 s16, $0xC;
	s18 =	sadd.s32 $0xC580, s14;
	s14 =	sadd.s32 @!p1 s15, s14  }
0x8c: {  	s17 =	sadd.s32 $0x11980, s17;
	s14 =	smin.u32 @!p1 s14, $0x4E180  }
0x8d: {  	[tilespmem:s17], [sflag:$0x1] =	stream.indirect.gather [hbm4b:s5+s31], $0x20, s18, s31, $0xb8;
	[tilespmem:$0x1C180] =	vst v63  }
0x8e: {  	s16 =	sshll.u32 @!p1 s16, $0xB;
	s14 =	sshll.u32 @!p1 s14, $0x1  }
0x8f: {  	s16 =	sadd.s32 @!p1 $0x19980, s16;
	s17 =	simm.s32 @!p1 $0x0;
	s14 =	sadd.s32 @!p1 s7, s14  }
0x90: {  	[tilespmem:s16], [sflag:$0x2] =	stream.linear.gather @!p1 [hbm4b:s14+s17], $0x800, $0x38;
	[tilespmem:$0x1C180] =	vst v63  }
.LBB2_9:
0x91: {  	s14 =	sand.u32 $0x3, s11  }
0x92: {  	s14 =	sshll.u32 s14, $0xC  }
0x93: {  	s14 =	sadd.s32 $0x11980, s14  }
0x94: {  	v2 =	vmov s14;
	_ =	sdelay $0x3  }
0x95: {  	s18 =	simm.s32 $0x0  }
0x96: {  	v3 =	vld.idx.msk [tilespmem:v2+s18+$0x0 ss:$0x1], $0xffff;
	_ =	sdelay $0x1  }
0x97: {  	s14 =	simm.s32 $0x1  }
0x98: {  	s14 =	simm.s32 @!p2 $0x0  }
0x99: {  	s14 =	sshll.u32 s14, $0xD  }
0x9a: {  	s16 =	sor.u32 $0x159A0, s14;
	v4 =	vunpack.i.l.bf16.f32 v3  }
0x9b: {  	s21 =	sshll.u32 s12, $0xD;
	v3 =	vunpack.i.u.bf16.f32 v3;
	[tilespmem:s16+$0xFFFFFFE0] =	vst v4  }
0x9c: {  	s20 =	simm.s32 $0x80;
	s17 =	sand.u32 $0x2000, s21;
	[tilespmem:s16+$0xFFFFFFF0] =	vst v3  }
0x9d: {  	s17 =	sor.u32 $0x15980, s17;
	s14 =	sand.u32 $0x3, s12;
	v3 =	vld.idx.msk [tilespmem:v2+s18+$0x10 ss:$0x1], $0xffff;
	s18 =	smov.u32 s16  }
.LBB2_10:
0x9e: {  	_ =	sdelay $0x2  }
0x9f: {  	p3 =	sne.s32 s20, $0x3F80  }
0xa0: {  	s16 =	sadd.s32 $0x40, s16;
	s21 =	smov.u32 s20;
	s20 =	sadd.s32 $0x80, s20;
	v4 =	vunpack.i.u.bf16.f32 v3;
	v3 =	vunpack.i.l.bf16.f32 v3  }
0xa1: {  	[tilespmem:s18+$0x0] =	vst v3  }
0xa2: {  	s21 =	sshra.s32 s21, $0x2;
	[tilespmem:s18+$0x10] =	vst v4;
	s18 =	smov.u32 s16  }
0xa3: {  	v3 =	vld.idx.msk [tilespmem:v2+s21+$0x0 ss:$0x1], $0xffff;
	_ =	sdelay $0x4  }
.Ltmp5:
0xa4: {  	(pc) =	sbr.rel @p3 .LBB2_10-.Ltmp5, $4  }
0xa5: {  	v4 =	vunpack.i.u.bf16.f32 v3;
	v3 =	vunpack.i.l.bf16.f32 v3  }
0xa6: {  	[tilespmem:s16+$0xFFFFFFE0] =	vst v3  }
0xa7: {  	[tilespmem:s16+$0xFFFFFFF0] =	vst v4  }
0xa8: {  	v3 =	vld.idx.msk [tilespmem:v2+s21+$0x10 ss:$0x1], $0xffff  }
0xa9: {  	_ =	sdelay $0x2  }
0xaa: {  	s12 =	sadd.s32 $0x1, s12  }
0xab: {  	p3 =	sne.s32 s12, $0xA0;
	v2 =	vunpack.i.l.bf16.f32 v3  }
.Ltmp6:
0xac: {  	s13 =	sshll.u32 s13, $0x7;
	s14 =	sshll.u32 s14, $0xB;
	v3 =	vunpack.i.u.bf16.f32 v3;
	[tilespmem:s18+$0x0] =	vst v2;
	(pc) =	sbr.rel @p3 .LBB2_4-.Ltmp6, $4  }
0xad: {  	s13 =	sadd.s32 $0x11580, s13;
	s14 =	sadd.s32 $0x19980, s14;
	[tilespmem:s18+$0x10] =	vst v3  }
0xae: {  	[spmem:s2] =	stream.indirect.scatter.add.f32 [tilespmem:s17], [sflag:$0x3], $0x40, s13, s31, $0xb8;
	[tilespmem:$0x1C180] =	vst v63  }
0xaf: {  	s11 =	sadd.s32 $0x1, s11;
	p2 =	por !p2, !p2;
	s14 =	simm.s32 @!p0 $0x1B980  }
0xb0: {  	[spmem:s3] =	stream.indirect.scatter.add.f32 [tilespmem:s14], [sflag:$0x4], $0x10, s13, s31, $0xb8;
	[tilespmem:$0x1C180] =	vst v63  }
0xb1: {  	_ =	swait.ge [sflag:s1], $0x2000  }
0xb2: {  	[sflag:s1] =	ssyncset.done $0x0  }
0xb3: {  	[sflag:s1] =	ssyncadd.s32 $0xFFFFE000  }
0xb4: {  	_ =	swait.ge [sflag:s1], $0x2000  }
0xb5: {  	[sflag:s1] =	ssyncset.done $0x0  }
0xb6: {  	[sflag:s1] =	ssyncadd.s32 $0xFFFFE000  }
0xb7: {  	_ =	swait.ge [sflag:s0], $0x800  }
0xb8: {  	s11 =	stileid.u32;
	[sflag:s0] =	ssyncset.done $0x0  }
0xb9: {  	s11 =	sshll.u32 s11, $0x6;
	[sflag:s0] =	ssyncadd.s32 $0xFFFFF800  }
0xba: {  	s12 =	sshrl.u32 s8, $0x3;
	s11 =	sor.u32 $0x1C05, s11;
	[bflag:$0x0] =	sbarrier.arrive $0xFFFF  }
0xbb: {  	[hbm:s23], [sflag:s11] =	dma.local [spmem:s12], $0x13C0  }
0xbc: {  	s10 =	sadd.s32 $0x1, s10;
	_ =	swait.ge [sflag:s28], $0x13C0  }
0xbd: {  	p2 =	sne.s32 s10, s25;
	[sflag:s28] =	ssyncset.done $0x0  }
.Ltmp7:
0xbe: {  	s21 =	sshrl.u32 s9, $0x3;
	[sflag:s28] =	ssyncadd.s32 $0xFFFFEC40;
	(pc) =	sbr.rel @p2 .LBB2_1-.Ltmp7, $4  }
0xbf: {  	[hbm:s24], [sflag:s11] =	dma.local [spmem:s21], $0x4F0  }
0xc0: {  	_ =	swait.ge [sflag:s28], $0x4F0  }
0xc1: {  	[sflag:s28] =	ssyncset.done $0x0  }
0xc2: {  	[sflag:s28] =	ssyncadd.s32 $0xFFFFFB10  }
0xc3: {  	_ =	sfence.sel $0x180000  }
0xc4: {  	[bflag:$0x0] =	sbarrier.arrive $0xFFFF  }
0xc5: {  	_ =	strace $0x90000047  }
0xc6: {  	s0 =	stileid.u32;
	[bflag:$0x2] =	sbarrier.arrive $0xFFFF  }
0xc7: {  	p0 =	sne.s32 s0, $0x0;
	s0 =	rddreg [dreg:$0x4]  }
0xc8: {  	s0 =	sadd.s32 @!p0 $0x100000, s0  }
0xc9: {  	[sflag:s0] =	ssyncadd.tile.s32 @!p0 $0x1;
	_ =	shalt  }
.Lfunc_end2:
_tile_overlayer_lowered:
.L_overlay_start_2:
0xca: {  	(tag) =	ssettag $0x2  }
0xcb: {  	s0 =	rddreg [dreg:$0x0];
	s2 =	stileid.u32  }
0xcc: {  	s1 =	rddreg [dreg:$0x1];
	p0 =	sne.s32 s2, $0x0  }
0xcd: {  	s3 =	rddreg [dreg:$0x2];
	[bflag:$0x3] =	sbarrier.arrive $0xFFFF;
	s2 =	simm.s32 @!p0 $0x1C05  }
0xce: {  	[timem:s3], [sflag:s2] =	dma.local @!p0 [hbm:s0], s1  }
0xcf: {  	s0 =	simm.s32 @!p0 $0x5  }
0xd0: {  	_ =	swait.ge @!p0 [sflag:s0], s1  }
0xd1: {  	s1 =	ssub.s32 @!p0 $0x0, s1;
	[sflag:s0] =	ssyncset.done @!p0 $0x0  }
0xd2: {  	[sflag:s0] =	ssyncadd.s32 @!p0 s1  }
0xd3: {  	[bflag:$0x3] =	sbarrier.arrive $0xFFFF  }
0xd4: {  	_ =	shalt  }

</sc_bundles>
